<compile_context>
chip_gen: v7x
topology: tpu7x:2x2x1
jax: 0.10.2.dev20260603
libtpu: 0.0.44.dev20260713+nightly
codegen_flags: <defaults>
</compile_context>

<pallas_src>
import functools

import jax
import jax.numpy as jnp
from jax import lax
from jax.experimental import pallas as pl
from jax.experimental.pallas import tpu as pltpu
from jax.experimental.pallas import tpu_sc as plsc

_TEMPERATURE = 0.5
_FC = 128
_TCH = 128


def _routing_idx(logits):
    key = jax.random.key(42)
    u = jax.random.uniform(
        key, logits.shape, minval=0.0, maxval=1.0, dtype=jnp.float32
    )
    g = -jnp.log(-jnp.log(u + 1e-20) + 1e-20)
    y = jax.nn.softmax((logits + g) / _TEMPERATURE, axis=-1)
    C = logits.shape[2]
    clusters = jnp.arange(C, dtype=jnp.float32)
    soft = jnp.sum(y * clusters, axis=2, keepdims=True)
    return jax.lax.stop_gradient(soft).astype(jnp.int32)[..., 0]


def _make_sc_scatter(B, D, F, C):
    NFC = F // _FC
    NCH = D // _TCH
    NG = _FC // 16
    mesh = plsc.VectorSubcoreMesh(core_axis_name="c", subcore_axis_name="s")

    @functools.partial(
        pl.kernel,
        out_type=jax.ShapeDtypeStruct((B, C, F), jnp.float32),
        mesh=mesh,
        scratch_types=[
            pltpu.VMEM((2, _TCH, _FC), jnp.float32),
            pltpu.VMEM((2, _TCH), jnp.int32),
            pltpu.VMEM((C, _FC), jnp.float32),
            pltpu.VMEM_SHARED((16, C, _FC), jnp.float32),
            pltpu.SemaphoreType.DMA,
            pltpu.SemaphoreType.DMA,
            pltpu.SemaphoreType.DMA,
            pltpu.SemaphoreType.DMA,
            pltpu.SemaphoreType.DMA,
        ],
        compiler_params=pltpu.CompilerParams(needs_layout_passes=False),
    )
    def k(values_hbm, idx_hbm, out_hbm, vbuf, ibuf, acc, accsh, vs0, vs1, is0, is1, ss):
        sid = lax.axis_index("s")
        wid = sid * 2 + lax.axis_index("c")
        b = wid // NFC
        fc = wid % NFC
        vsems = (vs0, vs1)
        isems = (is0, is1)
        zero16 = jnp.zeros((16,), jnp.float32)

        @pl.loop(0, C)
        def _zero(r):
            for g in range(NG):
                acc[r, pl.ds(g * 16, 16)] = zero16

        def _vcopy(ch, slot):
            return pltpu.make_async_copy(
                values_hbm.at[b, pl.ds(ch * _TCH, _TCH), pl.ds(fc * _FC, _FC)],
                vbuf.at[slot],
                vsems[slot],
            )

        def _icopy(ch, slot):
            return pltpu.make_async_copy(
                idx_hbm.at[b, pl.ds(ch * _TCH, _TCH)], ibuf.at[slot], isems[slot]
            )

        def _scatter(slot):
            return pltpu.async_copy(
                vbuf.at[slot], accsh.at[sid].at[ibuf.at[slot]], ss, add=True
            )

        pltpu.sync_copy(acc, accsh.at[sid])
        _vcopy(0, 0).start()
        _icopy(0, 0).start()

        @pl.loop(0, NCH, step=2)
        def _chunk2(ch0):
            for slot in range(2):
                ch = ch0 + slot
                nxt = ch + 1

                @pl.when(nxt < NCH)
                def _prefetch():
                    _vcopy(nxt, 1 - slot).start()
                    _icopy(nxt, 1 - slot).start()

                _vcopy(ch, slot).wait()
                _icopy(ch, slot).wait()
                _scatter(slot).wait()

        pltpu.sync_copy(accsh.at[sid], acc)
        pltpu.sync_copy(acc, out_hbm.at[b, :, pl.ds(fc * _FC, _FC)])

    return k


def kernel(values, logits):
    B, D, F = values.shape
    C = logits.shape[2]
    idx = _routing_idx(logits)
    sc = _make_sc_scatter(B, D, F, C)
    return sc(values, idx)

# --- scband reference (transcript-rebuilt; emitter-appended) ---
"""Pipeline reference for scband-gumbel-softmax-6657199309125 (READ-ONLY COPY).

The authoritative reference and input builder live on the scoring server;
editing this copy changes nothing except your own understanding.
"""

import jax, jax.numpy as jnp
import numpy as np

TEMPERATURE = 0.5
HARD = False


def _gumbel_softmax_sample(key, logits, temperature):
    U = jax.random.uniform(key, logits.shape, minval=0.0, maxval=1.0, dtype=jnp.float32)
    g = -jnp.log(-jnp.log(U + 1e-20) + 1e-20)
    return jax.nn.softmax((logits + g) / temperature, axis=-1)


def _forward(values, logits):
    B, D, F = values.shape
    C = logits.shape[2]
    key = jax.random.key(42)
    y = _gumbel_softmax_sample(key, logits, TEMPERATURE)
    if HARD:
        y_hard = (y == jnp.max(y, axis=2, keepdims=True)).astype(y.dtype)
        y = jax.lax.stop_gradient(y_hard - y) + y
    clusters = jnp.arange(C, dtype=jnp.float32)
    # soft argmax index, cast to int (gradient-blocking, as in the TF original)
    idx = jnp.sum(y * clusters, axis=2, keepdims=True)  # [B, D, 1]
    idx = jax.lax.stop_gradient(idx).astype(jnp.int32)
    # batchwise unsorted segment sum: each feature channel gets its own segment range
    tiled = jnp.tile(idx, (1, 1, F)) + jnp.arange(F, dtype=jnp.int32) * C  # [B, D, F]
    n = F * C
    k = D * F
    vals_flat = values.reshape(-1)
    idx_flat = tiled.reshape(-1) + (jnp.arange(B * k, dtype=jnp.int32) // k) * n
    seg = jax.ops.segment_sum(vals_flat, idx_flat, num_segments=B * n)
    res = seg.reshape(B, F, C)
    return jnp.transpose(res, (0, 2, 1))  # [B, C, F]


def setup_inputs(seed: int = 0):
    key = jax.random.key(seed)
    k1, k2 = jax.random.split(key)
    values = jax.random.normal(k1, (4, 4096, 1024), dtype=jnp.float32)
    logits = jax.random.normal(k2, (4, 4096, 64), dtype=jnp.float32)
    return {"values": values, "logits": logits}


def reference(values, logits):
    return _forward(values, logits)

if __name__ == "__main__":
    import jax
    _d = setup_inputs()
    print(jax.jit(kernel)(*tuple(_d.values())))

</pallas_src>

<mosaic_0001>
#map = affine_map<(d0, d1) -> (0, 0, 0)>
#map1 = affine_map<(d0, d1) -> (0, 0)>
module attributes {stable_mosaic.version = 14 : i64} {
  func.func @k(%arg0: i32, %arg1: i32, %arg2: memref<4x4096x1024xf32, #tpu.memory_space<hbm>>, %arg3: memref<4x4096xi32, #tpu.memory_space<hbm>>, %arg4: memref<4x64x1024xf32, #tpu.memory_space<hbm>>, %arg5: memref<2x128x128xf32, #tpu.memory_space<vmem>>, %arg6: memref<2x128xi32, #tpu.memory_space<vmem>>, %arg7: memref<64x128xf32, #tpu.memory_space<vmem>>, %arg8: memref<16x64x128xf32, #tpu.memory_space<vmem_shared>>, %arg9: memref<!tpu.dma_semaphore, #tpu.memory_space<semaphore_mem>>, %arg10: memref<!tpu.dma_semaphore, #tpu.memory_space<semaphore_mem>>, %arg11: memref<!tpu.dma_semaphore, #tpu.memory_space<semaphore_mem>>, %arg12: memref<!tpu.dma_semaphore, #tpu.memory_space<semaphore_mem>>, %arg13: memref<!tpu.dma_semaphore, #tpu.memory_space<semaphore_mem>>) attributes {dimension_semantics = [#tpu.dimension_semantics<core_parallel>, #tpu.dimension_semantics<subcore_parallel>], iteration_bounds = array<i64: 2, 16>, scalar_prefetch = 0 : i64, scratch_operands = 9 : i64, tpu.core_type = #tpu.core_type<sc_vector_subcore>, window_params = [{transform_indices = #map}, {transform_indices = #map1}, {transform_indices = #map}]} {
    %mul3A = arith.constant 2 : i32
    %mul3A_0 = arith.muli %arg1, %mul3A : i32
    %add3A = arith.addi %mul3A_0, %arg0 : i32
    %jit3A = arith.constant 8 : i32
    %div3A = arith.divsi %add3A, %jit3A : i32
    %sign3A = arith.constant 0 : i32
    %sign3A_1 = arith.cmpi sgt, %add3A, %sign3A : i32
    %sign3A_2 = arith.extui %sign3A_1 : i1 to i32
    %sign3A_3 = arith.constant 0 : i32
    %sign3A_4 = arith.cmpi slt, %add3A, %sign3A_3 : i32
    %sign3A_5 = arith.extui %sign3A_4 : i1 to i32
    %sign3A_6 = arith.subi %sign3A_2, %sign3A_5 : i32
    %sign3A_7 = arith.constant 0 : i32
    %sign3A_8 = arith.cmpi sgt, %jit3A, %sign3A_7 : i32
    %sign3A_9 = arith.extui %sign3A_8 : i1 to i32
    %sign3A_10 = arith.constant 0 : i32
    %sign3A_11 = arith.cmpi slt, %jit3A, %sign3A_10 : i32
    %sign3A_12 = arith.extui %sign3A_11 : i1 to i32
    %sign3A_13 = arith.subi %sign3A_9, %sign3A_12 : i32
    %ne3A = arith.cmpi ne, %sign3A_6, %sign3A_13 : i32
    %rem3A = arith.remsi %add3A, %jit3A : i32
    %ne3A_14 = arith.constant 0 : i32
    %ne3A_15 = arith.cmpi ne, %rem3A, %ne3A_14 : i32
    %and3A = arith.andi %ne3A, %ne3A_15 : i1
    %sub3A = arith.constant 1 : i32
    %sub3A_16 = arith.subi %div3A, %sub3A : i32
    %select_n3A = arith.select %and3A, %sub3A_16, %div3A : i32
    %jit3A_17 = arith.constant 8 : i32
    %eq3A = arith.constant 0 : i32
    %eq3A_18 = arith.cmpi eq, %jit3A_17, %eq3A : i32
    %jit3A_19 = arith.constant 1 : i32
    %select_n3A_20 = arith.select %eq3A_18, %jit3A_19, %jit3A_17 : i32
    %rem3A_21 = arith.remsi %add3A, %select_n3A_20 : i32
    %ne3A_22 = arith.constant 0 : i32
    %ne3A_23 = arith.cmpi ne, %rem3A_21, %ne3A_22 : i32
    %lt3A = arith.constant 0 : i32
    %lt3A_24 = arith.cmpi slt, %rem3A_21, %lt3A : i32
    %lt3A_25 = arith.constant 0 : i32
    %lt3A_26 = arith.cmpi slt, %select_n3A_20, %lt3A_25 : i32
    %ne3A_27 = arith.xori %lt3A_24, %lt3A_26 : i1
    %and3A_28 = arith.andi %ne3A_27, %ne3A_23 : i1
    %add3A_29 = arith.addi %rem3A_21, %select_n3A_20 : i32
    %select_n3A_30 = arith.select %and3A_28, %add3A_29, %rem3A_21 : i32
    %broadcast_in_dim3A = arith.constant 0.000000e+00 : f32
    %broadcast_in_dim3A_31 = vector.broadcast %broadcast_in_dim3A : f32 to vector<16xf32>
    %scan3A = arith.constant 0 : i32
    %scan3A_32 = arith.constant 64 : i32
    %scan3A_33 = arith.addi %scan3A, %scan3A_32 : i32
    %scan3A_34 = arith.constant 1 : i32
    scf.for %scan3A_72 = %scan3A to %scan3A_33 step %scan3A_34  : i32 {
      %mul3A_73 = arith.constant 1 : i32
      %mul3A_74 = arith.muli %scan3A_72, %mul3A_73 : i32
      %add3A_75 = arith.constant 0 : i32
      %add3A_76 = arith.addi %add3A_75, %mul3A_74 : i32
      %swap3A = arith.index_cast %add3A_76 : i32 to index
      %swap3A_77 = arith.constant 0 : index
      %swap3A_78 = tpu.vector_load %arg7[%swap3A, %swap3A_77] {strides = array<i32>} : memref<64x128xf32, #tpu.memory_space<vmem>>, vector<16xf32>,
      tpu.vector_store %arg7[%swap3A, %swap3A_77], %broadcast_in_dim3A_31 {strides = array<i32>} : memref<64x128xf32, #tpu.memory_space<vmem>>, vector<16xf32>,
      %swap3A_79 = arith.index_cast %add3A_76 : i32 to index
      %swap3A_80 = arith.constant 16 : index
      %swap3A_81 = tpu.vector_load %arg7[%swap3A_79, %swap3A_80] {strides = array<i32>} : memref<64x128xf32, #tpu.memory_space<vmem>>, vector<16xf32>,
      tpu.vector_store %arg7[%swap3A_79, %swap3A_80], %broadcast_in_dim3A_31 {strides = array<i32>} : memref<64x128xf32, #tpu.memory_space<vmem>>, vector<16xf32>,
      %swap3A_82 = arith.index_cast %add3A_76 : i32 to index
      %swap3A_83 = arith.constant 32 : index
      %swap3A_84 = tpu.vector_load %arg7[%swap3A_82, %swap3A_83] {strides = array<i32>} : memref<64x128xf32, #tpu.memory_space<vmem>>, vector<16xf32>,
      tpu.vector_store %arg7[%swap3A_82, %swap3A_83], %broadcast_in_dim3A_31 {strides = array<i32>} : memref<64x128xf32, #tpu.memory_space<vmem>>, vector<16xf32>,
      %swap3A_85 = arith.index_cast %add3A_76 : i32 to index
      %swap3A_86 = arith.constant 48 : index
      %swap3A_87 = tpu.vector_load %arg7[%swap3A_85, %swap3A_86] {strides = array<i32>} : memref<64x128xf32, #tpu.memory_space<vmem>>, vector<16xf32>,
      tpu.vector_store %arg7[%swap3A_85, %swap3A_86], %broadcast_in_dim3A_31 {strides = array<i32>} : memref<64x128xf32, #tpu.memory_space<vmem>>, vector<16xf32>,
      %swap3A_88 = arith.index_cast %add3A_76 : i32 to index
      %swap3A_89 = arith.constant 64 : index
      %swap3A_90 = tpu.vector_load %arg7[%swap3A_88, %swap3A_89] {strides = array<i32>} : memref<64x128xf32, #tpu.memory_space<vmem>>, vector<16xf32>,
      tpu.vector_store %arg7[%swap3A_88, %swap3A_89], %broadcast_in_dim3A_31 {strides = array<i32>} : memref<64x128xf32, #tpu.memory_space<vmem>>, vector<16xf32>,
      %swap3A_91 = arith.index_cast %add3A_76 : i32 to index
      %swap3A_92 = arith.constant 80 : index
      %swap3A_93 = tpu.vector_load %arg7[%swap3A_91, %swap3A_92] {strides = array<i32>} : memref<64x128xf32, #tpu.memory_space<vmem>>, vector<16xf32>,
      tpu.vector_store %arg7[%swap3A_91, %swap3A_92], %broadcast_in_dim3A_31 {strides = array<i32>} : memref<64x128xf32, #tpu.memory_space<vmem>>, vector<16xf32>,
      %swap3A_94 = arith.index_cast %add3A_76 : i32 to index
      %swap3A_95 = arith.constant 96 : index
      %swap3A_96 = tpu.vector_load %arg7[%swap3A_94, %swap3A_95] {strides = array<i32>} : memref<64x128xf32, #tpu.memory_space<vmem>>, vector<16xf32>,
      tpu.vector_store %arg7[%swap3A_94, %swap3A_95], %broadcast_in_dim3A_31 {strides = array<i32>} : memref<64x128xf32, #tpu.memory_space<vmem>>, vector<16xf32>,
      %swap3A_97 = arith.index_cast %add3A_76 : i32 to index
      %swap3A_98 = arith.constant 112 : index
      %swap3A_99 = tpu.vector_load %arg7[%swap3A_97, %swap3A_98] {strides = array<i32>} : memref<64x128xf32, #tpu.memory_space<vmem>>, vector<16xf32>,
      tpu.vector_store %arg7[%swap3A_97, %swap3A_98], %broadcast_in_dim3A_31 {strides = array<i32>} : memref<64x128xf32, #tpu.memory_space<vmem>>, vector<16xf32>,
    }
    %scan3A_35 = arith.constant 64 : i32
    "tpu.region"() ({
      %run_scoped3A = tpu.sem_alloc : memref<!tpu.dma_semaphore, #tpu.memory_space<semaphore_mem>>
      %dma_start3A_72 = arith.constant 0 : i32
      %dma_start3A_73 = arith.constant 0 : i32
      %dma_start3A_74 = tpu.memref_slice %arg8[%arg1, %dma_start3A_72, %dma_start3A_73] : memref<16x64x128xf32, #tpu.memory_space<vmem_shared>> -> memref<1x64x128xf32, #tpu.memory_space<vmem_shared>>
      %dma_start3A_75 = tpu.memref_squeeze %dma_start3A_74 : memref<1x64x128xf32, #tpu.memory_space<vmem_shared>> -> memref<64x128xf32, #tpu.memory_space<vmem_shared>>
      %dma_start3A_76 = arith.constant 0 : i32
      %dma_start3A_77 = arith.constant 0 : i32
      %dma_start3A_78 = tpu.memref_slice %arg8[%arg1, %dma_start3A_76, %dma_start3A_77] : memref<16x64x128xf32, #tpu.memory_space<vmem_shared>> -> memref<1x64x128xf32, #tpu.memory_space<vmem_shared>>
      %dma_start3A_79 = tpu.memref_squeeze %dma_start3A_78 : memref<1x64x128xf32, #tpu.memory_space<vmem_shared>> -> memref<64x128xf32, #tpu.memory_space<vmem_shared>>
      tpu.enqueue_dma source(%arg7 : memref<64x128xf32, #tpu.memory_space<vmem>>) target(%dma_start3A_79 : memref<64x128xf32, #tpu.memory_space<vmem_shared>>) target_semaphore(%run_scoped3A : memref<!tpu.dma_semaphore, #tpu.memory_space<semaphore_mem>>)
      %dma_wait3A = arith.constant 0 : i32
      %dma_wait3A_80 = arith.constant 0 : i32
      %dma_wait3A_81 = tpu.memref_slice %arg8[%arg1, %dma_wait3A, %dma_wait3A_80] : memref<16x64x128xf32, #tpu.memory_space<vmem_shared>> -> memref<1x64x128xf32, #tpu.memory_space<vmem_shared>>
      %dma_wait3A_82 = tpu.memref_squeeze %dma_wait3A_81 : memref<1x64x128xf32, #tpu.memory_space<vmem_shared>> -> memref<64x128xf32, #tpu.memory_space<vmem_shared>>
      %dma_wait3A_83 = arith.constant 0 : i32
      %dma_wait3A_84 = arith.constant 0 : i32
      %dma_wait3A_85 = tpu.memref_slice %arg8[%arg1, %dma_wait3A_83, %dma_wait3A_84] : memref<16x64x128xf32, #tpu.memory_space<vmem_shared>> -> memref<1x64x128xf32, #tpu.memory_space<vmem_shared>>
      %dma_wait3A_86 = tpu.memref_squeeze %dma_wait3A_85 : memref<1x64x128xf32, #tpu.memory_space<vmem_shared>> -> memref<64x128xf32, #tpu.memory_space<vmem_shared>>
      tpu.wait_dma2 semaphore(%run_scoped3A : memref<!tpu.dma_semaphore, #tpu.memory_space<semaphore_mem>>) src(%arg7 : memref<64x128xf32, #tpu.memory_space<vmem>>) dst(%dma_wait3A_86 : memref<64x128xf32, #tpu.memory_space<vmem_shared>>)
      tpu.yield
    }) : () -> ()
    %mul3A_36 = arith.constant 128 : i32
    %mul3A_37 = arith.muli %select_n3A_30, %mul3A_36 : i32
    %dma_start3A = arith.constant 0 : i32
    %dma_start3A_38 = arith.constant 0 : i32
    %dma_start3A_39 = arith.constant 0 : i32
    %dma_start3A_40 = tpu.memref_slice %arg5[%dma_start3A, %dma_start3A_38, %dma_start3A_39] : memref<2x128x128xf32, #tpu.memory_space<vmem>> -> memref<1x128x128xf32, #tpu.memory_space<vmem>>
    %dma_start3A_41 = tpu.memref_squeeze %dma_start3A_40 : memref<1x128x128xf32, #tpu.memory_space<vmem>> -> memref<128x128xf32, #tpu.memory_space<vmem>>
    %dma_start3A_42 = arith.constant 0 : i32
    %dma_start3A_43 = tpu.memref_slice %arg2[%select_n3A, %dma_start3A_42, %mul3A_37] : memref<4x4096x1024xf32, #tpu.memory_space<hbm>> -> memref<1x128x128xf32, #tpu.memory_space<hbm>>
    %dma_start3A_44 = tpu.memref_squeeze %dma_start3A_43 : memref<1x128x128xf32, #tpu.memory_space<hbm>> -> memref<128x128xf32, #tpu.memory_space<hbm>>
    %dma_start3A_45 = arith.constant 0 : i32
    %dma_start3A_46 = arith.constant 0 : i32
    %dma_start3A_47 = tpu.memref_slice %arg5[%dma_start3A, %dma_start3A_45, %dma_start3A_46] : memref<2x128x128xf32, #tpu.memory_space<vmem>> -> memref<1x128x128xf32, #tpu.memory_space<vmem>>
    %dma_start3A_48 = tpu.memref_squeeze %dma_start3A_47 : memref<1x128x128xf32, #tpu.memory_space<vmem>> -> memref<128x128xf32, #tpu.memory_space<vmem>>
    %dma_start3A_49 = arith.constant 0 : i32
    %dma_start3A_50 = tpu.memref_slice %arg2[%select_n3A, %dma_start3A_49, %mul3A_37] : memref<4x4096x1024xf32, #tpu.memory_space<hbm>> -> memref<1x128x128xf32, #tpu.memory_space<hbm>>
    %dma_start3A_51 = tpu.memref_squeeze %dma_start3A_50 : memref<1x128x128xf32, #tpu.memory_space<hbm>> -> memref<128x128xf32, #tpu.memory_space<hbm>>
    tpu.enqueue_dma source(%dma_start3A_51 : memref<128x128xf32, #tpu.memory_space<hbm>>) target(%dma_start3A_48 : memref<128x128xf32, #tpu.memory_space<vmem>>) target_semaphore(%arg9 : memref<!tpu.dma_semaphore, #tpu.memory_space<semaphore_mem>>)
    %dma_start3A_52 = arith.constant 0 : i32
    %dma_start3A_53 = arith.constant 0 : i32
    %dma_start3A_54 = tpu.memref_slice %arg6[%dma_start3A_52, %dma_start3A_53] : memref<2x128xi32, #tpu.memory_space<vmem>> -> memref<1x128xi32, #tpu.memory_space<vmem>>
    %dma_start3A_55 = tpu.memref_squeeze %dma_start3A_54 : memref<1x128xi32, #tpu.memory_space<vmem>> -> memref<128xi32, #tpu.memory_space<vmem>>
    %dma_start3A_56 = arith.constant 0 : i32
    %dma_start3A_57 = tpu.memref_slice %arg3[%select_n3A, %dma_start3A_56] : memref<4x4096xi32, #tpu.memory_space<hbm>> -> memref<1x128xi32, #tpu.memory_space<hbm>>
    %dma_start3A_58 = tpu.memref_squeeze %dma_start3A_57 : memref<1x128xi32, #tpu.memory_space<hbm>> -> memref<128xi32, #tpu.memory_space<hbm>>
    %dma_start3A_59 = arith.constant 0 : i32
    %dma_start3A_60 = tpu.memref_slice %arg6[%dma_start3A_52, %dma_start3A_59] : memref<2x128xi32, #tpu.memory_space<vmem>> -> memref<1x128xi32, #tpu.memory_space<vmem>>
    %dma_start3A_61 = tpu.memref_squeeze %dma_start3A_60 : memref<1x128xi32, #tpu.memory_space<vmem>> -> memref<128xi32, #tpu.memory_space<vmem>>
    %dma_start3A_62 = arith.constant 0 : i32
    %dma_start3A_63 = tpu.memref_slice %arg3[%select_n3A, %dma_start3A_62] : memref<4x4096xi32, #tpu.memory_space<hbm>> -> memref<1x128xi32, #tpu.memory_space<hbm>>
    %dma_start3A_64 = tpu.memref_squeeze %dma_start3A_63 : memref<1x128xi32, #tpu.memory_space<hbm>> -> memref<128xi32, #tpu.memory_space<hbm>>
    tpu.enqueue_dma source(%dma_start3A_64 : memref<128xi32, #tpu.memory_space<hbm>>) target(%dma_start3A_61 : memref<128xi32, #tpu.memory_space<vmem>>) target_semaphore(%arg11 : memref<!tpu.dma_semaphore, #tpu.memory_space<semaphore_mem>>)
    %scan3A_65 = arith.constant 0 : i32
    %scan3A_66 = arith.constant 16 : i32
    %scan3A_67 = arith.addi %scan3A_65, %scan3A_66 : i32
    %scan3A_68 = arith.constant 1 : i32
    scf.for %scan3A_72 = %scan3A_65 to %scan3A_67 step %scan3A_68  : i32 {
      %mul3A_73 = arith.constant 2 : i32
      %mul3A_74 = arith.muli %scan3A_72, %mul3A_73 : i32
      %add3A_75 = arith.constant 0 : i32
      %add3A_76 = arith.addi %add3A_75, %mul3A_74 : i32
      %add3A_77 = arith.constant 0 : i32
      %add3A_78 = arith.addi %add3A_76, %add3A_77 : i32
      %add3A_79 = arith.constant 1 : i32
      %add3A_80 = arith.addi %add3A_78, %add3A_79 : i32
      %lt3A_81 = arith.constant 32 : i32
      %lt3A_82 = arith.cmpi slt, %add3A_80, %lt3A_81 : i32
      %convert_element_type3A = arith.extui %lt3A_82 : i1 to i32
      %cond3A = arith.constant 0 : i32
      %cond3A_83 = arith.cmpi ne, %convert_element_type3A, %cond3A : i32
      scf.if %cond3A_83 {
        %mul3A_216 = arith.constant 128 : i32
        %mul3A_217 = arith.muli %add3A_80, %mul3A_216 : i32
        %mul3A_218 = arith.constant 128 : i32
        %mul3A_219 = arith.muli %select_n3A_30, %mul3A_218 : i32
        %dma_start3A_220 = arith.constant 1 : i32
        %dma_start3A_221 = arith.constant 0 : i32
        %dma_start3A_222 = arith.constant 0 : i32
        %dma_start3A_223 = tpu.memref_slice %arg5[%dma_start3A_220, %dma_start3A_221, %dma_start3A_222] : memref<2x128x128xf32, #tpu.memory_space<vmem>> -> memref<1x128x128xf32, #tpu.memory_space<vmem>>
        %dma_start3A_224 = tpu.memref_squeeze %dma_start3A_223 : memref<1x128x128xf32, #tpu.memory_space<vmem>> -> memref<128x128xf32, #tpu.memory_space<vmem>>
        %dma_start3A_225 = tpu.memref_slice %arg2[%select_n3A, %mul3A_217, %mul3A_219] : memref<4x4096x1024xf32, #tpu.memory_space<hbm>> -> memref<1x128x128xf32, #tpu.memory_space<hbm>>
        %dma_start3A_226 = tpu.memref_squeeze %dma_start3A_225 : memref<1x128x128xf32, #tpu.memory_space<hbm>> -> memref<128x128xf32, #tpu.memory_space<hbm>>
        %dma_start3A_227 = arith.constant 0 : i32
        %dma_start3A_228 = arith.constant 0 : i32
        %dma_start3A_229 = tpu.memref_slice %arg5[%dma_start3A_220, %dma_start3A_227, %dma_start3A_228] : memref<2x128x128xf32, #tpu.memory_space<vmem>> -> memref<1x128x128xf32, #tpu.memory_space<vmem>>
        %dma_start3A_230 = tpu.memref_squeeze %dma_start3A_229 : memref<1x128x128xf32, #tpu.memory_space<vmem>> -> memref<128x128xf32, #tpu.memory_space<vmem>>
        %dma_start3A_231 = tpu.memref_slice %arg2[%select_n3A, %mul3A_217, %mul3A_219] : memref<4x4096x1024xf32, #tpu.memory_space<hbm>> -> memref<1x128x128xf32, #tpu.memory_space<hbm>>
        %dma_start3A_232 = tpu.memref_squeeze %dma_start3A_231 : memref<1x128x128xf32, #tpu.memory_space<hbm>> -> memref<128x128xf32, #tpu.memory_space<hbm>>
        tpu.enqueue_dma source(%dma_start3A_232 : memref<128x128xf32, #tpu.memory_space<hbm>>) target(%dma_start3A_230 : memref<128x128xf32, #tpu.memory_space<vmem>>) target_semaphore(%arg10 : memref<!tpu.dma_semaphore, #tpu.memory_space<semaphore_mem>>)
        %mul3A_233 = arith.constant 128 : i32
        %mul3A_234 = arith.muli %add3A_80, %mul3A_233 : i32
        %dma_start3A_235 = arith.constant 1 : i32
        %dma_start3A_236 = arith.constant 0 : i32
        %dma_start3A_237 = tpu.memref_slice %arg6[%dma_start3A_235, %dma_start3A_236] : memref<2x128xi32, #tpu.memory_space<vmem>> -> memref<1x128xi32, #tpu.memory_space<vmem>>
        %dma_start3A_238 = tpu.memref_squeeze %dma_start3A_237 : memref<1x128xi32, #tpu.memory_space<vmem>> -> memref<128xi32, #tpu.memory_space<vmem>>
        %dma_start3A_239 = tpu.memref_slice %arg3[%select_n3A, %mul3A_234] : memref<4x4096xi32, #tpu.memory_space<hbm>> -> memref<1x128xi32, #tpu.memory_space<hbm>>
        %dma_start3A_240 = tpu.memref_squeeze %dma_start3A_239 : memref<1x128xi32, #tpu.memory_space<hbm>> -> memref<128xi32, #tpu.memory_space<hbm>>
        %dma_start3A_241 = arith.constant 0 : i32
        %dma_start3A_242 = tpu.memref_slice %arg6[%dma_start3A_235, %dma_start3A_241] : memref<2x128xi32, #tpu.memory_space<vmem>> -> memref<1x128xi32, #tpu.memory_space<vmem>>
        %dma_start3A_243 = tpu.memref_squeeze %dma_start3A_242 : memref<1x128xi32, #tpu.memory_space<vmem>> -> memref<128xi32, #tpu.memory_space<vmem>>
        %dma_start3A_244 = tpu.memref_slice %arg3[%select_n3A, %mul3A_234] : memref<4x4096xi32, #tpu.memory_space<hbm>> -> memref<1x128xi32, #tpu.memory_space<hbm>>
        %dma_start3A_245 = tpu.memref_squeeze %dma_start3A_244 : memref<1x128xi32, #tpu.memory_space<hbm>> -> memref<128xi32, #tpu.memory_space<hbm>>
        tpu.enqueue_dma source(%dma_start3A_245 : memref<128xi32, #tpu.memory_space<hbm>>) target(%dma_start3A_243 : memref<128xi32, #tpu.memory_space<vmem>>) target_semaphore(%arg12 : memref<!tpu.dma_semaphore, #tpu.memory_space<semaphore_mem>>)
      } else {
      }
      %mul3A_84 = arith.constant 128 : i32
      %mul3A_85 = arith.muli %add3A_78, %mul3A_84 : i32
      %mul3A_86 = arith.constant 128 : i32
      %mul3A_87 = arith.muli %select_n3A_30, %mul3A_86 : i32
      %dma_wait3A = arith.constant 0 : i32
      %dma_wait3A_88 = arith.constant 0 : i32
      %dma_wait3A_89 = arith.constant 0 : i32
      %dma_wait3A_90 = tpu.memref_slice %arg5[%dma_wait3A, %dma_wait3A_88, %dma_wait3A_89] : memref<2x128x128xf32, #tpu.memory_space<vmem>> -> memref<1x128x128xf32, #tpu.memory_space<vmem>>
      %dma_wait3A_91 = tpu.memref_squeeze %dma_wait3A_90 : memref<1x128x128xf32, #tpu.memory_space<vmem>> -> memref<128x128xf32, #tpu.memory_space<vmem>>
      %dma_wait3A_92 = tpu.memref_slice %arg2[%select_n3A, %mul3A_85, %mul3A_87] : memref<4x4096x1024xf32, #tpu.memory_space<hbm>> -> memref<1x128x128xf32, #tpu.memory_space<hbm>>
      %dma_wait3A_93 = tpu.memref_squeeze %dma_wait3A_92 : memref<1x128x128xf32, #tpu.memory_space<hbm>> -> memref<128x128xf32, #tpu.memory_space<hbm>>
      %dma_wait3A_94 = arith.constant 0 : i32
      %dma_wait3A_95 = arith.constant 0 : i32
      %dma_wait3A_96 = tpu.memref_slice %arg5[%dma_wait3A, %dma_wait3A_94, %dma_wait3A_95] : memref<2x128x128xf32, #tpu.memory_space<vmem>> -> memref<1x128x128xf32, #tpu.memory_space<vmem>>
      %dma_wait3A_97 = tpu.memref_squeeze %dma_wait3A_96 : memref<1x128x128xf32, #tpu.memory_space<vmem>> -> memref<128x128xf32, #tpu.memory_space<vmem>>
      %dma_wait3A_98 = tpu.memref_slice %arg2[%select_n3A, %mul3A_85, %mul3A_87] : memref<4x4096x1024xf32, #tpu.memory_space<hbm>> -> memref<1x128x128xf32, #tpu.memory_space<hbm>>
      %dma_wait3A_99 = tpu.memref_squeeze %dma_wait3A_98 : memref<1x128x128xf32, #tpu.memory_space<hbm>> -> memref<128x128xf32, #tpu.memory_space<hbm>>
      tpu.wait_dma2 semaphore(%arg9 : memref<!tpu.dma_semaphore, #tpu.memory_space<semaphore_mem>>) src(%dma_wait3A_99 : memref<128x128xf32, #tpu.memory_space<hbm>>) dst(%dma_wait3A_97 : memref<128x128xf32, #tpu.memory_space<vmem>>)
      %mul3A_100 = arith.constant 128 : i32
      %mul3A_101 = arith.muli %add3A_78, %mul3A_100 : i32
      %dma_wait3A_102 = arith.constant 0 : i32
      %dma_wait3A_103 = arith.constant 0 : i32
      %dma_wait3A_104 = tpu.memref_slice %arg6[%dma_wait3A_102, %dma_wait3A_103] : memref<2x128xi32, #tpu.memory_space<vmem>> -> memref<1x128xi32, #tpu.memory_space<vmem>>
      %dma_wait3A_105 = tpu.memref_squeeze %dma_wait3A_104 : memref<1x128xi32, #tpu.memory_space<vmem>> -> memref<128xi32, #tpu.memory_space<vmem>>
      %dma_wait3A_106 = tpu.memref_slice %arg3[%select_n3A, %mul3A_101] : memref<4x4096xi32, #tpu.memory_space<hbm>> -> memref<1x128xi32, #tpu.memory_space<hbm>>
      %dma_wait3A_107 = tpu.memref_squeeze %dma_wait3A_106 : memref<1x128xi32, #tpu.memory_space<hbm>> -> memref<128xi32, #tpu.memory_space<hbm>>
      %dma_wait3A_108 = arith.constant 0 : i32
      %dma_wait3A_109 = tpu.memref_slice %arg6[%dma_wait3A_102, %dma_wait3A_108] : memref<2x128xi32, #tpu.memory_space<vmem>> -> memref<1x128xi32, #tpu.memory_space<vmem>>
      %dma_wait3A_110 = tpu.memref_squeeze %dma_wait3A_109 : memref<1x128xi32, #tpu.memory_space<vmem>> -> memref<128xi32, #tpu.memory_space<vmem>>
      %dma_wait3A_111 = tpu.memref_slice %arg3[%select_n3A, %mul3A_101] : memref<4x4096xi32, #tpu.memory_space<hbm>> -> memref<1x128xi32, #tpu.memory_space<hbm>>
      %dma_wait3A_112 = tpu.memref_squeeze %dma_wait3A_111 : memref<1x128xi32, #tpu.memory_space<hbm>> -> memref<128xi32, #tpu.memory_space<hbm>>
      tpu.wait_dma2 semaphore(%arg11 : memref<!tpu.dma_semaphore, #tpu.memory_space<semaphore_mem>>) src(%dma_wait3A_112 : memref<128xi32, #tpu.memory_space<hbm>>) dst(%dma_wait3A_110 : memref<128xi32, #tpu.memory_space<vmem>>)
      %dma_start3A_113 = arith.constant 0 : i32
      %dma_start3A_114 = arith.constant 0 : i32
      %dma_start3A_115 = arith.constant 0 : i32
      %dma_start3A_116 = arith.constant 0 : i32
      %dma_start3A_117 = tpu.memref_slice %arg5[%dma_start3A_113, %dma_start3A_115, %dma_start3A_116] : memref<2x128x128xf32, #tpu.memory_space<vmem>> -> memref<1x128x128xf32, #tpu.memory_space<vmem>>
      %dma_start3A_118 = tpu.memref_squeeze %dma_start3A_117 : memref<1x128x128xf32, #tpu.memory_space<vmem>> -> memref<128x128xf32, #tpu.memory_space<vmem>>
      %dma_start3A_119 = arith.constant 0 : i32
      %dma_start3A_120 = tpu.memref_slice %arg6[%dma_start3A_114, %dma_start3A_119] : memref<2x128xi32, #tpu.memory_space<vmem>> -> memref<1x128xi32, #tpu.memory_space<vmem>>
      %dma_start3A_121 = tpu.memref_squeeze %dma_start3A_120 : memref<1x128xi32, #tpu.memory_space<vmem>> -> memref<128xi32, #tpu.memory_space<vmem>>
      %dma_start3A_122 = arith.constant 0 : i32
      %dma_start3A_123 = arith.constant 0 : i32
      %dma_start3A_124 = tpu.memref_slice %arg8[%arg1, %dma_start3A_122, %dma_start3A_123] : memref<16x64x128xf32, #tpu.memory_space<vmem_shared>> -> memref<1x64x128xf32, #tpu.memory_space<vmem_shared>>
      %dma_start3A_125 = tpu.memref_squeeze %dma_start3A_124 : memref<1x64x128xf32, #tpu.memory_space<vmem_shared>> -> memref<64x128xf32, #tpu.memory_space<vmem_shared>>
      %dma_start3A_126 = arith.constant 0 : i32
      %dma_start3A_127 = arith.constant 0 : i32
      %dma_start3A_128 = tpu.memref_slice %dma_start3A_125[%dma_start3A_126, %dma_start3A_127] : memref<64x128xf32, #tpu.memory_space<vmem_shared>> -> memref<64x128xf32, #tpu.memory_space<vmem_shared>>
      tpu.enqueue_indirect_dma source(%dma_start3A_118 : memref<128x128xf32, #tpu.memory_space<vmem>>) target(%dma_start3A_128 : memref<64x128xf32, #tpu.memory_space<vmem_shared>>) offsets(%dma_start3A_121 : memref<128xi32, #tpu.memory_space<vmem>>) semaphore(%arg13 : memref<!tpu.dma_semaphore, #tpu.memory_space<semaphore_mem>>) {add = true}
      %dma_wait3A_129 = arith.constant 0 : i32
      %dma_wait3A_130 = arith.constant 0 : i32
      %dma_wait3A_131 = arith.constant 0 : i32
      %dma_wait3A_132 = arith.constant 0 : i32
      %dma_wait3A_133 = tpu.memref_slice %arg5[%dma_wait3A_129, %dma_wait3A_131, %dma_wait3A_132] : memref<2x128x128xf32, #tpu.memory_space<vmem>> -> memref<1x128x128xf32, #tpu.memory_space<vmem>>
      %dma_wait3A_134 = tpu.memref_squeeze %dma_wait3A_133 : memref<1x128x128xf32, #tpu.memory_space<vmem>> -> memref<128x128xf32, #tpu.memory_space<vmem>>
      %dma_wait3A_135 = arith.constant 0 : i32
      %dma_wait3A_136 = tpu.memref_slice %arg6[%dma_wait3A_130, %dma_wait3A_135] : memref<2x128xi32, #tpu.memory_space<vmem>> -> memref<1x128xi32, #tpu.memory_space<vmem>>
      %dma_wait3A_137 = tpu.memref_squeeze %dma_wait3A_136 : memref<1x128xi32, #tpu.memory_space<vmem>> -> memref<128xi32, #tpu.memory_space<vmem>>
      %dma_wait3A_138 = arith.constant 0 : i32
      %dma_wait3A_139 = arith.constant 0 : i32
      %dma_wait3A_140 = tpu.memref_slice %arg8[%arg1, %dma_wait3A_138, %dma_wait3A_139] : memref<16x64x128xf32, #tpu.memory_space<vmem_shared>> -> memref<1x64x128xf32, #tpu.memory_space<vmem_shared>>
      %dma_wait3A_141 = tpu.memref_squeeze %dma_wait3A_140 : memref<1x64x128xf32, #tpu.memory_space<vmem_shared>> -> memref<64x128xf32, #tpu.memory_space<vmem_shared>>
      %dma_wait3A_142 = arith.constant 0 : i32
      %dma_wait3A_143 = arith.constant 0 : i32
      %dma_wait3A_144 = tpu.memref_slice %dma_wait3A_141[%dma_wait3A_142, %dma_wait3A_143] : memref<64x128xf32, #tpu.memory_space<vmem_shared>> -> memref<64x128xf32, #tpu.memory_space<vmem_shared>>
      tpu.wait_indirect_dma semaphore(%arg13 : memref<!tpu.dma_semaphore, #tpu.memory_space<semaphore_mem>>) src(%dma_wait3A_134 : memref<128x128xf32, #tpu.memory_space<vmem>>) dst(%dma_wait3A_144 : memref<64x128xf32, #tpu.memory_space<vmem_shared>>)
      %add3A_145 = arith.constant 1 : i32
      %add3A_146 = arith.addi %add3A_76, %add3A_145 : i32
      %add3A_147 = arith.constant 1 : i32
      %add3A_148 = arith.addi %add3A_146, %add3A_147 : i32
      %lt3A_149 = arith.constant 32 : i32
      %lt3A_150 = arith.cmpi slt, %add3A_148, %lt3A_149 : i32
      %convert_element_type3A_151 = arith.extui %lt3A_150 : i1 to i32
      %cond3A_152 = arith.constant 0 : i32
      %cond3A_153 = arith.cmpi ne, %convert_element_type3A_151, %cond3A_152 : i32
      scf.if %cond3A_153 {
        %mul3A_216 = arith.constant 128 : i32
        %mul3A_217 = arith.muli %add3A_148, %mul3A_216 : i32
        %mul3A_218 = arith.constant 128 : i32
        %mul3A_219 = arith.muli %select_n3A_30, %mul3A_218 : i32
        %dma_start3A_220 = arith.constant 0 : i32
        %dma_start3A_221 = arith.constant 0 : i32
        %dma_start3A_222 = arith.constant 0 : i32
        %dma_start3A_223 = tpu.memref_slice %arg5[%dma_start3A_220, %dma_start3A_221, %dma_start3A_222] : memref<2x128x128xf32, #tpu.memory_space<vmem>> -> memref<1x128x128xf32, #tpu.memory_space<vmem>>
        %dma_start3A_224 = tpu.memref_squeeze %dma_start3A_223 : memref<1x128x128xf32, #tpu.memory_space<vmem>> -> memref<128x128xf32, #tpu.memory_space<vmem>>
        %dma_start3A_225 = tpu.memref_slice %arg2[%select_n3A, %mul3A_217, %mul3A_219] : memref<4x4096x1024xf32, #tpu.memory_space<hbm>> -> memref<1x128x128xf32, #tpu.memory_space<hbm>>
        %dma_start3A_226 = tpu.memref_squeeze %dma_start3A_225 : memref<1x128x128xf32, #tpu.memory_space<hbm>> -> memref<128x128xf32, #tpu.memory_space<hbm>>
        %dma_start3A_227 = arith.constant 0 : i32
        %dma_start3A_228 = arith.constant 0 : i32
        %dma_start3A_229 = tpu.memref_slice %arg5[%dma_start3A_220, %dma_start3A_227, %dma_start3A_228] : memref<2x128x128xf32, #tpu.memory_space<vmem>> -> memref<1x128x128xf32, #tpu.memory_space<vmem>>
        %dma_start3A_230 = tpu.memref_squeeze %dma_start3A_229 : memref<1x128x128xf32, #tpu.memory_space<vmem>> -> memref<128x128xf32, #tpu.memory_space<vmem>>
        %dma_start3A_231 = tpu.memref_slice %arg2[%select_n3A, %mul3A_217, %mul3A_219] : memref<4x4096x1024xf32, #tpu.memory_space<hbm>> -> memref<1x128x128xf32, #tpu.memory_space<hbm>>
        %dma_start3A_232 = tpu.memref_squeeze %dma_start3A_231 : memref<1x128x128xf32, #tpu.memory_space<hbm>> -> memref<128x128xf32, #tpu.memory_space<hbm>>
        tpu.enqueue_dma source(%dma_start3A_232 : memref<128x128xf32, #tpu.memory_space<hbm>>) target(%dma_start3A_230 : memref<128x128xf32, #tpu.memory_space<vmem>>) target_semaphore(%arg9 : memref<!tpu.dma_semaphore, #tpu.memory_space<semaphore_mem>>)
        %mul3A_233 = arith.constant 128 : i32
        %mul3A_234 = arith.muli %add3A_148, %mul3A_233 : i32
        %dma_start3A_235 = arith.constant 0 : i32
        %dma_start3A_236 = arith.constant 0 : i32
        %dma_start3A_237 = tpu.memref_slice %arg6[%dma_start3A_235, %dma_start3A_236] : memref<2x128xi32, #tpu.memory_space<vmem>> -> memref<1x128xi32, #tpu.memory_space<vmem>>
        %dma_start3A_238 = tpu.memref_squeeze %dma_start3A_237 : memref<1x128xi32, #tpu.memory_space<vmem>> -> memref<128xi32, #tpu.memory_space<vmem>>
        %dma_start3A_239 = tpu.memref_slice %arg3[%select_n3A, %mul3A_234] : memref<4x4096xi32, #tpu.memory_space<hbm>> -> memref<1x128xi32, #tpu.memory_space<hbm>>
        %dma_start3A_240 = tpu.memref_squeeze %dma_start3A_239 : memref<1x128xi32, #tpu.memory_space<hbm>> -> memref<128xi32, #tpu.memory_space<hbm>>
        %dma_start3A_241 = arith.constant 0 : i32
        %dma_start3A_242 = tpu.memref_slice %arg6[%dma_start3A_235, %dma_start3A_241] : memref<2x128xi32, #tpu.memory_space<vmem>> -> memref<1x128xi32, #tpu.memory_space<vmem>>
        %dma_start3A_243 = tpu.memref_squeeze %dma_start3A_242 : memref<1x128xi32, #tpu.memory_space<vmem>> -> memref<128xi32, #tpu.memory_space<vmem>>
        %dma_start3A_244 = tpu.memref_slice %arg3[%select_n3A, %mul3A_234] : memref<4x4096xi32, #tpu.memory_space<hbm>> -> memref<1x128xi32, #tpu.memory_space<hbm>>
        %dma_start3A_245 = tpu.memref_squeeze %dma_start3A_244 : memref<1x128xi32, #tpu.memory_space<hbm>> -> memref<128xi32, #tpu.memory_space<hbm>>
        tpu.enqueue_dma source(%dma_start3A_245 : memref<128xi32, #tpu.memory_space<hbm>>) target(%dma_start3A_243 : memref<128xi32, #tpu.memory_space<vmem>>) target_semaphore(%arg11 : memref<!tpu.dma_semaphore, #tpu.memory_space<semaphore_mem>>)
      } else {
      }
      %mul3A_154 = arith.constant 128 : i32
      %mul3A_155 = arith.muli %add3A_146, %mul3A_154 : i32
      %mul3A_156 = arith.constant 128 : i32
      %mul3A_157 = arith.muli %select_n3A_30, %mul3A_156 : i32
      %dma_wait3A_158 = arith.constant 1 : i32
      %dma_wait3A_159 = arith.constant 0 : i32
      %dma_wait3A_160 = arith.constant 0 : i32
      %dma_wait3A_161 = tpu.memref_slice %arg5[%dma_wait3A_158, %dma_wait3A_159, %dma_wait3A_160] : memref<2x128x128xf32, #tpu.memory_space<vmem>> -> memref<1x128x128xf32, #tpu.memory_space<vmem>>
      %dma_wait3A_162 = tpu.memref_squeeze %dma_wait3A_161 : memref<1x128x128xf32, #tpu.memory_space<vmem>> -> memref<128x128xf32, #tpu.memory_space<vmem>>
      %dma_wait3A_163 = tpu.memref_slice %arg2[%select_n3A, %mul3A_155, %mul3A_157] : memref<4x4096x1024xf32, #tpu.memory_space<hbm>> -> memref<1x128x128xf32, #tpu.memory_space<hbm>>
      %dma_wait3A_164 = tpu.memref_squeeze %dma_wait3A_163 : memref<1x128x128xf32, #tpu.memory_space<hbm>> -> memref<128x128xf32, #tpu.memory_space<hbm>>
      %dma_wait3A_165 = arith.constant 0 : i32
      %dma_wait3A_166 = arith.constant 0 : i32
      %dma_wait3A_167 = tpu.memref_slice %arg5[%dma_wait3A_158, %dma_wait3A_165, %dma_wait3A_166] : memref<2x128x128xf32, #tpu.memory_space<vmem>> -> memref<1x128x128xf32, #tpu.memory_space<vmem>>
      %dma_wait3A_168 = tpu.memref_squeeze %dma_wait3A_167 : memref<1x128x128xf32, #tpu.memory_space<vmem>> -> memref<128x128xf32, #tpu.memory_space<vmem>>
      %dma_wait3A_169 = tpu.memref_slice %arg2[%select_n3A, %mul3A_155, %mul3A_157] : memref<4x4096x1024xf32, #tpu.memory_space<hbm>> -> memref<1x128x128xf32, #tpu.memory_space<hbm>>
      %dma_wait3A_170 = tpu.memref_squeeze %dma_wait3A_169 : memref<1x128x128xf32, #tpu.memory_space<hbm>> -> memref<128x128xf32, #tpu.memory_space<hbm>>
      tpu.wait_dma2 semaphore(%arg10 : memref<!tpu.dma_semaphore, #tpu.memory_space<semaphore_mem>>) src(%dma_wait3A_170 : memref<128x128xf32, #tpu.memory_space<hbm>>) dst(%dma_wait3A_168 : memref<128x128xf32, #tpu.memory_space<vmem>>)
      %mul3A_171 = arith.constant 128 : i32
      %mul3A_172 = arith.muli %add3A_146, %mul3A_171 : i32
      %dma_wait3A_173 = arith.constant 1 : i32
      %dma_wait3A_174 = arith.constant 0 : i32
      %dma_wait3A_175 = tpu.memref_slice %arg6[%dma_wait3A_173, %dma_wait3A_174] : memref<2x128xi32, #tpu.memory_space<vmem>> -> memref<1x128xi32, #tpu.memory_space<vmem>>
      %dma_wait3A_176 = tpu.memref_squeeze %dma_wait3A_175 : memref<1x128xi32, #tpu.memory_space<vmem>> -> memref<128xi32, #tpu.memory_space<vmem>>
      %dma_wait3A_177 = tpu.memref_slice %arg3[%select_n3A, %mul3A_172] : memref<4x4096xi32, #tpu.memory_space<hbm>> -> memref<1x128xi32, #tpu.memory_space<hbm>>
      %dma_wait3A_178 = tpu.memref_squeeze %dma_wait3A_177 : memref<1x128xi32, #tpu.memory_space<hbm>> -> memref<128xi32, #tpu.memory_space<hbm>>
      %dma_wait3A_179 = arith.constant 0 : i32
      %dma_wait3A_180 = tpu.memref_slice %arg6[%dma_wait3A_173, %dma_wait3A_179] : memref<2x128xi32, #tpu.memory_space<vmem>> -> memref<1x128xi32, #tpu.memory_space<vmem>>
      %dma_wait3A_181 = tpu.memref_squeeze %dma_wait3A_180 : memref<1x128xi32, #tpu.memory_space<vmem>> -> memref<128xi32, #tpu.memory_space<vmem>>
      %dma_wait3A_182 = tpu.memref_slice %arg3[%select_n3A, %mul3A_172] : memref<4x4096xi32, #tpu.memory_space<hbm>> -> memref<1x128xi32, #tpu.memory_space<hbm>>
      %dma_wait3A_183 = tpu.memref_squeeze %dma_wait3A_182 : memref<1x128xi32, #tpu.memory_space<hbm>> -> memref<128xi32, #tpu.memory_space<hbm>>
      tpu.wait_dma2 semaphore(%arg12 : memref<!tpu.dma_semaphore, #tpu.memory_space<semaphore_mem>>) src(%dma_wait3A_183 : memref<128xi32, #tpu.memory_space<hbm>>) dst(%dma_wait3A_181 : memref<128xi32, #tpu.memory_space<vmem>>)
      %dma_start3A_184 = arith.constant 1 : i32
      %dma_start3A_185 = arith.constant 1 : i32
      %dma_start3A_186 = arith.constant 0 : i32
      %dma_start3A_187 = arith.constant 0 : i32
      %dma_start3A_188 = tpu.memref_slice %arg5[%dma_start3A_184, %dma_start3A_186, %dma_start3A_187] : memref<2x128x128xf32, #tpu.memory_space<vmem>> -> memref<1x128x128xf32, #tpu.memory_space<vmem>>
      %dma_start3A_189 = tpu.memref_squeeze %dma_start3A_188 : memref<1x128x128xf32, #tpu.memory_space<vmem>> -> memref<128x128xf32, #tpu.memory_space<vmem>>
      %dma_start3A_190 = arith.constant 0 : i32
      %dma_start3A_191 = tpu.memref_slice %arg6[%dma_start3A_185, %dma_start3A_190] : memref<2x128xi32, #tpu.memory_space<vmem>> -> memref<1x128xi32, #tpu.memory_space<vmem>>
      %dma_start3A_192 = tpu.memref_squeeze %dma_start3A_191 : memref<1x128xi32, #tpu.memory_space<vmem>> -> memref<128xi32, #tpu.memory_space<vmem>>
      %dma_start3A_193 = arith.constant 0 : i32
      %dma_start3A_194 = arith.constant 0 : i32
      %dma_start3A_195 = tpu.memref_slice %arg8[%arg1, %dma_start3A_193, %dma_start3A_194] : memref<16x64x128xf32, #tpu.memory_space<vmem_shared>> -> memref<1x64x128xf32, #tpu.memory_space<vmem_shared>>
      %dma_start3A_196 = tpu.memref_squeeze %dma_start3A_195 : memref<1x64x128xf32, #tpu.memory_space<vmem_shared>> -> memref<64x128xf32, #tpu.memory_space<vmem_shared>>
      %dma_start3A_197 = arith.constant 0 : i32
      %dma_start3A_198 = arith.constant 0 : i32
      %dma_start3A_199 = tpu.memref_slice %dma_start3A_196[%dma_start3A_197, %dma_start3A_198] : memref<64x128xf32, #tpu.memory_space<vmem_shared>> -> memref<64x128xf32, #tpu.memory_space<vmem_shared>>
      tpu.enqueue_indirect_dma source(%dma_start3A_189 : memref<128x128xf32, #tpu.memory_space<vmem>>) target(%dma_start3A_199 : memref<64x128xf32, #tpu.memory_space<vmem_shared>>) offsets(%dma_start3A_192 : memref<128xi32, #tpu.memory_space<vmem>>) semaphore(%arg13 : memref<!tpu.dma_semaphore, #tpu.memory_space<semaphore_mem>>) {add = true}
      %dma_wait3A_200 = arith.constant 1 : i32
      %dma_wait3A_201 = arith.constant 1 : i32
      %dma_wait3A_202 = arith.constant 0 : i32
      %dma_wait3A_203 = arith.constant 0 : i32
      %dma_wait3A_204 = tpu.memref_slice %arg5[%dma_wait3A_200, %dma_wait3A_202, %dma_wait3A_203] : memref<2x128x128xf32, #tpu.memory_space<vmem>> -> memref<1x128x128xf32, #tpu.memory_space<vmem>>
      %dma_wait3A_205 = tpu.memref_squeeze %dma_wait3A_204 : memref<1x128x128xf32, #tpu.memory_space<vmem>> -> memref<128x128xf32, #tpu.memory_space<vmem>>
      %dma_wait3A_206 = arith.constant 0 : i32
      %dma_wait3A_207 = tpu.memref_slice %arg6[%dma_wait3A_201, %dma_wait3A_206] : memref<2x128xi32, #tpu.memory_space<vmem>> -> memref<1x128xi32, #tpu.memory_space<vmem>>
      %dma_wait3A_208 = tpu.memref_squeeze %dma_wait3A_207 : memref<1x128xi32, #tpu.memory_space<vmem>> -> memref<128xi32, #tpu.memory_space<vmem>>
      %dma_wait3A_209 = arith.constant 0 : i32
      %dma_wait3A_210 = arith.constant 0 : i32
      %dma_wait3A_211 = tpu.memref_slice %arg8[%arg1, %dma_wait3A_209, %dma_wait3A_210] : memref<16x64x128xf32, #tpu.memory_space<vmem_shared>> -> memref<1x64x128xf32, #tpu.memory_space<vmem_shared>>
      %dma_wait3A_212 = tpu.memref_squeeze %dma_wait3A_211 : memref<1x64x128xf32, #tpu.memory_space<vmem_shared>> -> memref<64x128xf32, #tpu.memory_space<vmem_shared>>
      %dma_wait3A_213 = arith.constant 0 : i32
      %dma_wait3A_214 = arith.constant 0 : i32
      %dma_wait3A_215 = tpu.memref_slice %dma_wait3A_212[%dma_wait3A_213, %dma_wait3A_214] : memref<64x128xf32, #tpu.memory_space<vmem_shared>> -> memref<64x128xf32, #tpu.memory_space<vmem_shared>>
      tpu.wait_indirect_dma semaphore(%arg13 : memref<!tpu.dma_semaphore, #tpu.memory_space<semaphore_mem>>) src(%dma_wait3A_205 : memref<128x128xf32, #tpu.memory_space<vmem>>) dst(%dma_wait3A_215 : memref<64x128xf32, #tpu.memory_space<vmem_shared>>)
    }
    %scan3A_69 = arith.constant 16 : i32
    "tpu.region"() ({
      %run_scoped3A = tpu.sem_alloc : memref<!tpu.dma_semaphore, #tpu.memory_space<semaphore_mem>>
      %dma_start3A_72 = arith.constant 0 : i32
      %dma_start3A_73 = arith.constant 0 : i32
      %dma_start3A_74 = tpu.memref_slice %arg8[%arg1, %dma_start3A_72, %dma_start3A_73] : memref<16x64x128xf32, #tpu.memory_space<vmem_shared>> -> memref<1x64x128xf32, #tpu.memory_space<vmem_shared>>
      %dma_start3A_75 = tpu.memref_squeeze %dma_start3A_74 : memref<1x64x128xf32, #tpu.memory_space<vmem_shared>> -> memref<64x128xf32, #tpu.memory_space<vmem_shared>>
      %dma_start3A_76 = arith.constant 0 : i32
      %dma_start3A_77 = arith.constant 0 : i32
      %dma_start3A_78 = tpu.memref_slice %arg8[%arg1, %dma_start3A_76, %dma_start3A_77] : memref<16x64x128xf32, #tpu.memory_space<vmem_shared>> -> memref<1x64x128xf32, #tpu.memory_space<vmem_shared>>
      %dma_start3A_79 = tpu.memref_squeeze %dma_start3A_78 : memref<1x64x128xf32, #tpu.memory_space<vmem_shared>> -> memref<64x128xf32, #tpu.memory_space<vmem_shared>>
      tpu.enqueue_dma source(%dma_start3A_79 : memref<64x128xf32, #tpu.memory_space<vmem_shared>>) target(%arg7 : memref<64x128xf32, #tpu.memory_space<vmem>>) target_semaphore(%run_scoped3A : memref<!tpu.dma_semaphore, #tpu.memory_space<semaphore_mem>>)
      %dma_wait3A = arith.constant 0 : i32
      %dma_wait3A_80 = arith.constant 0 : i32
      %dma_wait3A_81 = tpu.memref_slice %arg8[%arg1, %dma_wait3A, %dma_wait3A_80] : memref<16x64x128xf32, #tpu.memory_space<vmem_shared>> -> memref<1x64x128xf32, #tpu.memory_space<vmem_shared>>
      %dma_wait3A_82 = tpu.memref_squeeze %dma_wait3A_81 : memref<1x64x128xf32, #tpu.memory_space<vmem_shared>> -> memref<64x128xf32, #tpu.memory_space<vmem_shared>>
      %dma_wait3A_83 = arith.constant 0 : i32
      %dma_wait3A_84 = arith.constant 0 : i32
      %dma_wait3A_85 = tpu.memref_slice %arg8[%arg1, %dma_wait3A_83, %dma_wait3A_84] : memref<16x64x128xf32, #tpu.memory_space<vmem_shared>> -> memref<1x64x128xf32, #tpu.memory_space<vmem_shared>>
      %dma_wait3A_86 = tpu.memref_squeeze %dma_wait3A_85 : memref<1x64x128xf32, #tpu.memory_space<vmem_shared>> -> memref<64x128xf32, #tpu.memory_space<vmem_shared>>
      tpu.wait_dma2 semaphore(%run_scoped3A : memref<!tpu.dma_semaphore, #tpu.memory_space<semaphore_mem>>) src(%dma_wait3A_86 : memref<64x128xf32, #tpu.memory_space<vmem_shared>>) dst(%arg7 : memref<64x128xf32, #tpu.memory_space<vmem>>)
      tpu.yield
    }) : () -> ()
    %mul3A_70 = arith.constant 128 : i32
    %mul3A_71 = arith.muli %select_n3A_30, %mul3A_70 : i32
    "tpu.region"() ({
      %run_scoped3A = tpu.sem_alloc : memref<!tpu.dma_semaphore, #tpu.memory_space<semaphore_mem>>
      %dma_start3A_72 = arith.constant 0 : i32
      %dma_start3A_73 = tpu.memref_slice %arg4[%select_n3A, %dma_start3A_72, %mul3A_71] : memref<4x64x1024xf32, #tpu.memory_space<hbm>> -> memref<1x64x128xf32, #tpu.memory_space<hbm>>
      %dma_start3A_74 = tpu.memref_squeeze %dma_start3A_73 : memref<1x64x128xf32, #tpu.memory_space<hbm>> -> memref<64x128xf32, #tpu.memory_space<hbm>>
      %dma_start3A_75 = arith.constant 0 : i32
      %dma_start3A_76 = tpu.memref_slice %arg4[%select_n3A, %dma_start3A_75, %mul3A_71] : memref<4x64x1024xf32, #tpu.memory_space<hbm>> -> memref<1x64x128xf32, #tpu.memory_space<hbm>>
      %dma_start3A_77 = tpu.memref_squeeze %dma_start3A_76 : memref<1x64x128xf32, #tpu.memory_space<hbm>> -> memref<64x128xf32, #tpu.memory_space<hbm>>
      tpu.enqueue_dma source(%arg7 : memref<64x128xf32, #tpu.memory_space<vmem>>) target(%dma_start3A_77 : memref<64x128xf32, #tpu.memory_space<hbm>>) target_semaphore(%run_scoped3A : memref<!tpu.dma_semaphore, #tpu.memory_space<semaphore_mem>>)
      %dma_wait3A = arith.constant 0 : i32
      %dma_wait3A_78 = tpu.memref_slice %arg4[%select_n3A, %dma_wait3A, %mul3A_71] : memref<4x64x1024xf32, #tpu.memory_space<hbm>> -> memref<1x64x128xf32, #tpu.memory_space<hbm>>
      %dma_wait3A_79 = tpu.memref_squeeze %dma_wait3A_78 : memref<1x64x128xf32, #tpu.memory_space<hbm>> -> memref<64x128xf32, #tpu.memory_space<hbm>>
      %dma_wait3A_80 = arith.constant 0 : i32
      %dma_wait3A_81 = tpu.memref_slice %arg4[%select_n3A, %dma_wait3A_80, %mul3A_71] : memref<4x64x1024xf32, #tpu.memory_space<hbm>> -> memref<1x64x128xf32, #tpu.memory_space<hbm>>
      %dma_wait3A_82 = tpu.memref_squeeze %dma_wait3A_81 : memref<1x64x128xf32, #tpu.memory_space<hbm>> -> memref<64x128xf32, #tpu.memory_space<hbm>>
      tpu.wait_dma2 semaphore(%run_scoped3A : memref<!tpu.dma_semaphore, #tpu.memory_space<semaphore_mem>>) src(%arg7 : memref<64x128xf32, #tpu.memory_space<vmem>>) dst(%dma_wait3A_82 : memref<64x128xf32, #tpu.memory_space<hbm>>)
      tpu.yield
    }) : () -> ()
    return
  }
}

</mosaic_0001>

<sc_bundles>
// kernel: kernel.3.cloned.1.call-start
scs
__scs_entry_jumppad:
0x0: {  	(pc) =	sbr.rel $0x88, $3  }
0x1: {  	(tag) =	ssettag $0x0;
	lr =	simm.s32 $0x1  }
0x2: {  	[smem:$0x3F9F] =	sst lr;
	_ =	strace $0xD0000000  }
0x3: {  	_ = 	snop  }
0x4: {  	_ = 	snop  }
0x5: {  	_ = 	snop  }
0x6: {  	_ = 	snop  }
0x7: {  	_ = 	snop  }
__scs_overlays_trampoline_lowered:
0x8: {  	[smem:$0x3FAE] =	sst s0  }
0x9: {  	[smem:$0x3FAF] =	sst s1  }
0xa: {  	[smem:$0x3FB0] =	sst s2  }
0xb: {  	[smem:$0x3FB1] =	sst s3  }
0xc: {  	[smem:$0x3FB2] =	sst s4  }
0xd: {  	[smem:$0x3FB3] =	sst s5  }
0xe: {  	[smem:$0x3FB4] =	sst s6  }
0xf: {  	[smem:$0x3FB5] =	sst s7  }
0x10: {  	[smem:$0x3FB6] =	sst s8  }
0x11: {  	[smem:$0x3FB7] =	sst s9;
	s0 =	simm.s32 @!p0 $0x0  }
0x12: {  	s1 =	sld [smem:$0x3F9D];
	s0 =	simm.s32 @p0 $0x1  }
0x13: {  	[smem:$0x3FB8] =	sst s0;
	s0 =	simm.s32 @!p1 $0x0  }
0x14: {  	s2 =	sld [smem:$0x3F9C];
	s0 =	simm.s32 @p1 $0x1  }
0x15: {  	[smem:$0x3FB9] =	sst s0;
	s0 =	simm.s32 @!p2 $0x0  }
0x16: {  	s3 =	sld [smem:$0x3FDB];
	s0 =	simm.s32 @p2 $0x1  }
0x17: {  	s4 =	simm.s32 $0x1BF5;
	[smem:$0x3FBB] =	sst s0  }
0x18: {  	s0 =	sld [smem:$0x3F9E];
	_ =	swait.ge [sflag:s4], $0x0  }
0x19: {  	s7 =	sld [smem:$0x3F9F]  }
0x1a: {  	s8 =	sadd.s32 $0xFFFFE003, lr  }
0x1b: {  	s9 =	sadd.s32 $0xFFFFFEF7, lr;
	s5 =	simm.s32 $0xFFFFFFFF;
	p2 =	slt.u32 s8, $0xFFFFF086  }
0x1c: {  	p1 =	slt.u32 s9, $0xF7A;
	s5 =	simm.s32 @!p2 $0x0  }
0x1d: {  	s5 =	simm.s32 @p1 $0x1;
	p0 =	seq.s32 s7, s2  }
0x1e: {  	s7 =	smul.u32 @!p0 $0xF7A, s2;
	p2 =	seq.s32 @!p0 s5, $0x0  }
0x1f: {  	s9 =	smul.u32 $0xF7A, s1;
	s8 =	simm.s32 @!p0 $0x1BF5;
	p2 =	por !p2, p0  }
0x20: {  	[sflag:s8] =	ssyncset.s32 @!p0 $0xFFFFF086;
	s6 =	sadd.s32 @!p0 s3, s7;
	s7 =	simm.s32 @!p0 $0x108  }
0x21: {  	s3 =	sadd.s32 s3, s9;
	s6 =	sadd.s32 @!p0 $0x88, s6;
	s7 =	simm.s32 @p2 $0x1082  }
0x22: {  	[simem:s7], [sflag:s8] =	dma.local @!p0 [hbm:s6], $0xF7A  }
0x23: {  	s9 =	sor.u32 $0xD0000000, s2;
	s6 =	simm.s32 $0x108;
	_ =	swait.ge @!p0 [sflag:s8], $0x0  }
0x24: {  	s3 =	sadd.s32 $0x88, s3;
	s6 =	simm.s32 @!p1 $0x1082;
	[sflag:s4] =	ssyncset.s32 $0xFFFFF086  }
0x25: {  	[simem:s6], [sflag:s4] =	dma.local [hbm:s3], $0xF7A  }
0x26: {  	[smem:$0x3F9F] =	sst s1;
	(tag) =	ssettag s2;
	_ =	strace s9  }
0x27: {  	s1 =	sld [smem:$0x3FAF]  }
0x28: {  	s2 =	sld [smem:$0x3FB0]  }
0x29: {  	s4 =	sld [smem:$0x3FB2]  }
0x2a: {  	p0 =	seq.s32 s5, $0x0;
	s5 =	sld [smem:$0x3FB3]  }
0x2b: {  	s6 =	sld [smem:$0x3FB4]  }
0x2c: {  	s7 =	sld [smem:$0x3FB5]  }
0x2d: {  	s3 =	simm.s32 $0x108;
	s8 =	sld [smem:$0x3FB6]  }
0x2e: {  	s3 =	simm.s32 @!p0 $0x1082;
	s9 =	sld [smem:$0x3FB7]  }
0x2f: {  	lr =	sadd.s32 s0, s3;
	s0 =	sld [smem:$0x3FAE]  }
0x30: {  	s3 =	sld [smem:$0x3FB1]  }
0x31: {  	[smem:$0x3FBA] =	sst s10  }
0x32: {  	s10 =	sld [smem:$0x3FB8];
	_ =	sdelay $0x3  }
0x33: {  	p0 =	seq.s32 s10, $0x1;
	s10 =	sld [smem:$0x3FBA];
	_ =	sdelay $0x3  }
0x34: {  	[smem:$0x3FBA] =	sst s10  }
0x35: {  	s10 =	sld [smem:$0x3FB9];
	_ =	sdelay $0x3  }
0x36: {  	p1 =	seq.s32 s10, $0x1;
	s10 =	sld [smem:$0x3FBA];
	_ =	sdelay $0x3  }
0x37: {  	[smem:$0x3FBA] =	sst s10  }
0x38: {  	s10 =	sld [smem:$0x3FBB]  }
0x39: {  	_ = 	snop;
	(pc) =	sbr.ind lr, $3  }
0x3a: {  	_ = 	snop  }
0x3b: {  	_ = 	snop  }
0x3c: {  	p2 =	seq.s32 s10, $0x1;
	s10 =	sld [smem:$0x3FBA]  }
0x3d: {  	_ =	shalt  }
0x3e: {  	_ =	shalt  }
0x3f: {  	_ =	shalt  }
0x40: {  	_ =	shalt  }
0x41: {  	_ =	shalt  }
0x42: {  	_ =	shalt  }
0x43: {  	_ =	shalt  }
0x44: {  	_ =	shalt  }
0x45: {  	_ =	shalt  }
0x46: {  	_ =	shalt  }
0x47: {  	_ =	shalt  }
0x48: {  	_ =	shalt  }
0x49: {  	_ =	shalt  }
0x4a: {  	_ =	shalt  }
0x4b: {  	_ =	shalt  }
0x4c: {  	_ =	shalt  }
0x4d: {  	_ =	shalt  }
0x4e: {  	_ =	shalt  }
0x4f: {  	_ =	shalt  }
0x50: {  	_ =	shalt  }
0x51: {  	_ =	shalt  }
0x52: {  	_ =	shalt  }
0x53: {  	_ =	shalt  }
0x54: {  	_ =	shalt  }
0x55: {  	_ =	shalt  }
0x56: {  	_ =	shalt  }
0x57: {  	_ =	shalt  }
0x58: {  	_ =	shalt  }
0x59: {  	_ =	shalt  }
0x5a: {  	_ =	shalt  }
0x5b: {  	_ =	shalt  }
0x5c: {  	_ =	shalt  }
0x5d: {  	_ =	shalt  }
0x5e: {  	_ =	shalt  }
0x5f: {  	_ =	shalt  }
0x60: {  	_ =	shalt  }
0x61: {  	_ =	shalt  }
0x62: {  	_ =	shalt  }
0x63: {  	_ =	shalt  }
0x64: {  	_ =	shalt  }
0x65: {  	_ =	shalt  }
0x66: {  	_ =	shalt  }
0x67: {  	_ =	shalt  }
0x68: {  	_ =	shalt  }
0x69: {  	_ =	shalt  }
0x6a: {  	_ =	shalt  }
0x6b: {  	_ =	shalt  }
0x6c: {  	_ =	shalt  }
0x6d: {  	_ =	shalt  }
0x6e: {  	_ =	shalt  }
0x6f: {  	_ =	shalt  }
0x70: {  	_ =	shalt  }
0x71: {  	_ =	shalt  }
0x72: {  	_ =	shalt  }
0x73: {  	_ =	shalt  }
0x74: {  	_ =	shalt  }
0x75: {  	_ =	shalt  }
0x76: {  	_ =	shalt  }
0x77: {  	_ =	shalt  }
0x78: {  	_ =	shalt  }
0x79: {  	_ =	shalt  }
0x7a: {  	_ =	shalt  }
0x7b: {  	_ =	shalt  }
0x7c: {  	_ =	shalt  }
0x7d: {  	_ =	shalt  }
0x7e: {  	_ =	shalt  }
0x7f: {  	_ =	shalt  }
0x80: {  	_ =	shalt  }
0x81: {  	_ =	shalt  }
0x82: {  	_ =	shalt  }
0x83: {  	_ =	shalt  }
0x84: {  	_ =	shalt  }
0x85: {  	_ =	shalt  }
0x86: {  	_ =	shalt  }
0x87: {  	_ =	shalt  }
.Lfunc_end0:
.L_simem_size_0:
called_computation_lowered:
.L_overlay_start_0:
0x88: {  	s2 =	sld [smem:$0x3FD9]  }
0x89: {  	s3 =	sld [smem:$0x3FFE];
	_ =	sdelay $0x1  }
0x8a: {  	s1 =	srdreg.scid  }
0x8b: {  	s0 =	sand.u32 $0x1, s1  }
0x8c: {  	s17 =	sshll.u32 s0, $0xA;
	s2 =	sadd.s32 s3, s2  }
0x8d: {  	s2 =	sadd.s32 s2, s17  }
0x8e: {  	[smem:$0x3FC6] =	sst s2  }
0x8f: {  	_ = 	snop  }
0x90: {  	s2 =	sld [smem:$0x3FC9]  }
0x91: {  	s18 =	sld [smem:$0x3FD0];
	(tm) =	ssettm $0x1  }
0x92: {  	s4 =	sld [smem:$0x3FFB];
	_ =	sdelay $0x3  }
0x93: {  	_ =	strace s4  }
0x94: {  	s4 =	sld [smem:$0x3FFC];
	_ =	sdelay $0x3  }
0x95: {  	_ =	strace s4  }
0x96: {  	s4 =	sld [smem:$0x3FFD];
	_ =	sdelay $0x3  }
0x97: {  	_ =	strace s4  }
0x98: {  	_ =	strace $0x8FFFFFFF  }
0x99: {  	s19 =	sld [smem:$0x3FDB];
	_ =	sdelay $0x1  }
0x9a: {  	s5 =	simm.s32 $_scs_section_size  }
0x9b: {  	s6 =	simm.s32 $_size__tile_overlayer_lowered;
	s7 =	simm.s32 $_tile_overlayer_lowered  }
0x9c: {  	s22 =	simm.s32 $0x1BFF;
	s21 =	sshll.u32 s7, $0x1;
	s4 =	sadd.s32 s5, s19  }
0x9d: {  	s8 =	simm.s32 $0x0;
	s20 =	sshll.u32 s6, $0x1;
	s6 =	sadd.s32 s21, s4  }
0x9e: {  	[timem:s8], [sflag:s22] =	dma.local [hbm:s6], s20  }
0x9f: {  	_ =	swait.ge [sflag:s22], s20  }
0xa0: {  	s5 =	ssub.s32 $0x0, s20;
	[sflag:s22] =	ssyncset.done $0x0  }
0xa1: {  	[sflag:s22] =	ssyncadd.s32 s5;
	_ =	sdelay $0x1  }
0xa2: {  	s23 =	simm.s32 $0x1B8B  }
0xa3: {  	_ =	swait.ge [sflag:s23], $0x1  }
0xa4: {  	[sflag:s23] =	ssyncset.done $0x0  }
0xa5: {  	s25 =	simm.s32 $0x1B8E;
	s24 =	sld [smem:$0x3FFE];
	[sflag:s23] =	ssyncadd.s32 $0xFFFFFFFF  }
0xa6: {  	s26 =	simm.s32 $execute0_lowered;
	[smem:$0x3FD2] =	sst s25  }
0xa7: {  	s6 =	sshll.u32 s26, $0x1;
	_ =	strace $0x80000046;
	[dreg:$0x1] =	wrdreg $0xFFFFFFFF  }
0xa8: {  	s28 =	simm.s32 $_size_execute0_lowered;
	s4 =	sadd.s32 s4, s6;
	[dreg:$0x0] =	wrdreg $0x0  }
0xa9: {  	s6 =	sshll.u32 s28, $0x1;
	[dreg:$0x2] =	wrdreg s4  }
0xaa: {  	[dreg:$0x3] =	wrdreg s6  }
0xab: {  	[dreg:$0x4] =	wrdreg $0xC0  }
0xac: {  	_ =	task [dreg:s8], $0x5FFFF  }
0xad: {  	[dreg:$0x1] =	wrdreg $0xFFFFFFFF  }
0xae: {  	[dreg:$0x0] =	wrdreg $0x60  }
0xaf: {  	[dreg:$0x2] =	wrdreg s2  }
0xb0: {  	[dreg:$0x3] =	wrdreg s24  }
0xb1: {  	[dreg:$0x4] =	wrdreg s18  }
0xb2: {  	[dreg:$0x5] =	wrdreg $0xA1000  }
0xb3: {  	[dreg:$0x6] =	wrdreg $0x9  }
0xb4: {  	_ =	task.clear_ibuf [dreg:s8], $0x7FFFF;
	_ =	strace $0x90000046  }
0xb5: {  	s29 =	simm.s32 $0x9;
	_ =	strace $0x80000048  }
0xb6: {  	_ =	swait.ge [sflag:s29], $0x1  }
0xb7: {  	[sflag:s29] =	ssyncadd.s32 $0xFFFFFFFF  }
0xb8: {  	_ =	strace $0x90000048  }
0xb9: {  	_ =	sfence  }
0xba: {  	s30 =	sld [smem:$0x0];
	_ =	sdelay $0x2  }
0xbb: {  	s31 =	sshll.u32 s1, $0xD;
	s1 =	sshrl.u32 s1, $0x2  }
0xbc: {  	s3 =	sand.u32 $0x4000, s31;
	s1 =	sadd.s32 s1, s30  }
0xbd: {  	s0 =	sor.u32 s3, s0;
	s1 =	sshll.u32 s1, $0x11  }
0xbe: {  	s0 =	sor.u32 s1, s0  }
0xbf: {  	s0 =	sadd.s32 $0x8F2B, s0  }
0xc0: {  	[sflag:s0] =	ssyncadd.remote.s32 $0x1  }
0xc1: {  	_ =	sfence.sel $0xFFFF  }
0xc2: {  	[dreg:$0x0] =	wrdreg $0xFFFFFFFF;
	(pc) =	sbr.abs _section_cstart, $3  }
0xc3: {  	[dreg:$0x1] =	wrdreg $0xFFFFFFFF  }
0xc4: {  	_ =	task.clear_ibuf [dreg:s8], $0x2FFFF;
	_ =	strace $0x9FFFFFFF  }
0xc5: {  	(tm) =	ssettm $0x7FFFFFFF  }
tec
execute0_lowered:
.L_overlay_start_1:
0x0: {  	(tag) =	ssettag $0x1  }
0x1: {  	s1 =	rddreg [dreg:$0x0]  }
0x2: {  	s0 =	rddreg [dreg:$0x1]  }
0x3: {  	s7 =	rddreg [dreg:$0x2]  }
0x4: {  	s4 =	rddreg [dreg:$0x3];
	s3 =	simm.s32 $0x0  }
0x5: {  	s2 =	stileid.u32;
	s5 =	srdreg.scid;
	s14 =	simm.s32 $0x8100  }
0x6: {  	s15 =	simm.s32 $0x6;
	s16 =	simm.s32 $0x400;
	s17 =	simm.s32 $0x2000  }
0x7: {  	s18 =	simm.s32 $0x8000;
	s28 =	simm.s32 $0x0;
	[smem:$0x7FF] =	sst s3  }
0x8: {  	s6 =	sshll.u32 s2, $0x1;
	s8 =	sand.u32 $0x1, s5;
	s9 =	sshrl.u32 s2, $0x2  }
0x9: {  	s21 =	sshll.u32 s2, $0xD;
	s24 =	sand.u32 $0x3, s2;
	_ =	strace $0x80000047  }
0xa: {  	s19 =	sand.u32 $0x6, s6;
	s20 =	ssub.s32 $0x2, s8;
	s11 =	sshll.u32 s9, $0x16  }
0xb: {  	s4 =	sadd.s32 s21, s4;
	s13 =	sshll.u32 s9, $0x10;
	s6 =	sshll.u32 s24, $0xB  }
0xc: {  	s9 =	sshll.u32 s9, $0x4;
	s21 =	simm.s32 $0x1;
	s24 =	simm.s32 $0x5  }
0xd: {  	s5 =	sor.u32 s8, s19;
	s10 =	sshrl.u32 s20, $0x1;
	s6 =	sor.u32 s6, s11  }
0xe: {  	s8 =	sshll.u32 s8, $0xA;
	s19 =	simm.s32 $0x4000;
	s12 =	sshll.u32 s5, $0xA  }
0xf: {  	s10 =	ssub.s32 s20, s10;
	s29 =	sor.u32 s8, s6;
	s6 =	sadd.s32 s0, s9  }
0x10: {  	s20 =	simm.s32 $0x8080;
	s22 =	sor.u32 s11, s12;
	s12 =	sor.u32 s13, s12  }
0x11: {  	s31 =	sor.u32 $0x20000, s29;
	s8 =	smax.u32 s10, $0x1;
	s10 =	sadd.s32 $0x7C0, s6  }
0x12: {  	s13 =	sor.u32 $0x40000, s29;
	s23 =	sshrl.u32 s22, $0x3;
	s26 =	sshrl.u32 s12, $0x3  }
0x13: {  	s0 =	sshrl.u32 s31, $0x3;
	s12 =	sadd.s32 $0x40, s6;
	s22 =	simm.s32 $0x3  }
0x14: {  	s25 =	sadd.s32 s1, s23;
	s30 =	sadd.s32 s7, s26;
	s11 =	sadd.s32 s0, s1  }
0x15: {  	s23 =	simm.s32 $0x80;
	s26 =	simm.s32 $0x4;
	[dreg:$0x5] =	wrdreg s30  }
0x16: {  	v0 =	vimm.f32 $0.0e+00;
	s7 =	smov.u32 s25;
	s9 =	sadd.s32 $0x7C000, s25;
	s25 =	simm.s32 $0x2  }
.LBB2_1:
0x17: {  	s29 =	simm.s32 $0x0;
	s30 =	simm.s32 $0x200  }
.LBB2_2:
0x18: {  	p0 =	sne.s32 s30, $0x7E00;
	[tilespmem:s29+$0x8170] =	vst v0  }
0x19: {  	[tilespmem:s29+$0x8100] =	vst v0  }
0x1a: {  	[tilespmem:s29+$0x8110] =	vst v0  }
.Ltmp0:
0x1b: {  	[tilespmem:s29+$0x8120] =	vst v0;
	(pc) =	sbr.rel @p0 .LBB2_2-.Ltmp0, $4  }
0x1c: {  	[tilespmem:s29+$0x8130] =	vst v0  }
0x1d: {  	[tilespmem:s29+$0x8140] =	vst v0  }
0x1e: {  	[tilespmem:s29+$0x8150] =	vst v0  }
0x1f: {  	[tilespmem:s29+$0x8160] =	vst v0;
	s29 =	sshra.s32 s30, $0x2;
	s30 =	sadd.s32 $0x200, s30  }
0x20: {  	[tilespmem:s29+$0x8170] =	vst v0  }
0x21: {  	[tilespmem:s29+$0x8100] =	vst v0  }
0x22: {  	[tilespmem:s29+$0x8110] =	vst v0  }
0x23: {  	[tilespmem:s29+$0x8120] =	vst v0  }
0x24: {  	[tilespmem:s29+$0x8130] =	vst v0  }
0x25: {  	[tilespmem:s29+$0x8140] =	vst v0  }
0x26: {  	[tilespmem:s29+$0x8150] =	vst v0  }
0x27: {  	[tilespmem:s29+$0x8160] =	vst v0  }
0x28: {  	[spmem:s4] =	stream.linear.scatter [tilespmem:s14], [sflag:$0x6], $0x2000, $0x38;
	[tilespmem:$0xC100] =	vst v63  }
0x29: {  	_ =	swait.ge [sflag:s15], $0x2000  }
0x2a: {  	[sflag:s15] =	ssyncset.done $0x0  }
0x2b: {  	s0 =	simm.s32 $0x0;
	[sflag:s15] =	ssyncadd.s32 $0xFFFFE000  }
0x2c: {  	[tilespmem:s0], [sflag:$0x1] =	stream.strided.gather [hbm4b:s7+s16], $0x4000, s17, s16, $0x38;
	[tilespmem:$0xC100] =	vst v63  }
0x2d: {  	_ = 	snop  }
0x2e: {  	[tilespmem:s18], [sflag:$0x3] =	stream.linear.gather [hbm4b:s6+s0], $0x80, $0x38;
	[tilespmem:$0xC100] =	vst v63  }
0x2f: {  	s5 =	sadd.s32 $0x0, s11  }
0x30: {  	[tilespmem:s19], [sflag:$0x2] =	stream.strided.gather [hbm4b:s5+s16], $0x4000, s17, s16, $0x38;
	[tilespmem:$0xC100] =	vst v63  }
0x31: {  	_ = 	snop  }
0x32: {  	[tilespmem:s20], [sflag:$0x4] =	stream.linear.gather [hbm4b:s12+s3], $0x80, $0x38;
	[tilespmem:$0xC100] =	vst v63  }
0x33: {  	_ =	swait.ge [sflag:s21], $0x4000  }
0x34: {  	[sflag:s21] =	ssyncset.done $0x0  }
0x35: {  	[sflag:s21] =	ssyncadd.s32 $0xFFFFC000  }
0x36: {  	_ =	swait.ge [sflag:s22], $0x80  }
0x37: {  	[sflag:s22] =	ssyncset.done $0x0  }
0x38: {  	[sflag:s22] =	ssyncadd.s32 $0xFFFFFF80  }
0x39: {  	[spmem:s4] =	stream.indirect.scatter.add.f32 [tilespmem:s3], [sflag:$0x5], $0x80, s18, s23, $0xb8;
	[tilespmem:$0xC100] =	vst v63  }
0x3a: {  	_ =	swait.ge [sflag:s24], $0x4000  }
0x3b: {  	s2 =	sshrl.u32 s13, $0x3;
	[sflag:s24] =	ssyncset.done $0x0  }
0x3c: {  	s0 =	sadd.s32 s1, s2;
	[sflag:s24] =	ssyncadd.s32 $0xFFFFC000  }
0x3d: {  	[tilespmem:s3], [sflag:$0x1] =	stream.strided.gather [hbm4b:s0+s16], $0x4000, s17, s16, $0x38;
	[tilespmem:$0xC100] =	vst v63  }
0x3e: {  	s5 =	sadd.s32 $0x40, s12  }
0x3f: {  	[tilespmem:s18], [sflag:$0x3] =	stream.linear.gather [hbm4b:s5+s3], $0x80, $0x38;
	[tilespmem:$0xC100] =	vst v63  }
0x40: {  	_ =	swait.ge [sflag:s25], $0x4000  }
0x41: {  	[sflag:s25] =	ssyncset.done $0x0  }
0x42: {  	[sflag:s25] =	ssyncadd.s32 $0xFFFFC000  }
0x43: {  	_ =	swait.ge [sflag:s26], $0x80  }
0x44: {  	[sflag:s26] =	ssyncset.done $0x0  }
0x45: {  	[sflag:s26] =	ssyncadd.s32 $0xFFFFFF80  }
0x46: {  	[spmem:s4] =	stream.indirect.scatter.add.f32 [tilespmem:s19], [sflag:$0x5], $0x80, s20, s23, $0xb8;
	[tilespmem:$0xC100] =	vst v63  }
0x47: {  	s31 =	simm.s32 $0x8000;
	s29 =	sadd.s32 $0x80, s12;
	_ =	swait.ge [sflag:s24], $0x4000  }
0x48: {  	s30 =	sadd.s32 $0x40000, s13;
	s0 =	simm.s32 $0x10000;
	[sflag:s24] =	ssyncset.done $0x0  }
.LBB2_4:
0x49: {  	s2 =	sadd.s32 s31, s11  }
0x4a: {  	[sflag:s24] =	ssyncadd.s32 $0xFFFFC000;
	s31 =	smov.u32 s0;
	s5 =	sadd.s32 $0x8000, s0  }
0x4b: {  	[tilespmem:s19], [sflag:$0x2] =	stream.strided.gather [hbm4b:s2+s16], $0x4000, s17, s16, $0x38;
	[tilespmem:$0xC100] =	vst v63  }
0x4c: {  	p0 =	sne.s32 s0, $0x70000  }
0x4d: {  	[tilespmem:s20], [sflag:$0x4] =	stream.linear.gather [hbm4b:s29+s3], $0x80, $0x38;
	[tilespmem:$0xC100] =	vst v63  }
0x4e: {  	_ =	swait.ge [sflag:s21], $0x4000  }
0x4f: {  	[sflag:s21] =	ssyncset.done $0x0  }
0x50: {  	[sflag:s21] =	ssyncadd.s32 $0xFFFFC000  }
0x51: {  	_ =	swait.ge [sflag:s22], $0x80  }
0x52: {  	[sflag:s22] =	ssyncset.done $0x0  }
0x53: {  	[sflag:s22] =	ssyncadd.s32 $0xFFFFFF80  }
0x54: {  	[spmem:s4] =	stream.indirect.scatter.add.f32 [tilespmem:s3], [sflag:$0x5], $0x80, s18, s23, $0xb8;
	[tilespmem:$0xC100] =	vst v63  }
0x55: {  	_ =	swait.ge [sflag:s24], $0x4000  }
0x56: {  	s0 =	sshrl.u32 s30, $0x3;
	[sflag:s24] =	ssyncset.done $0x0  }
0x57: {  	s0 =	sadd.s32 s1, s0;
	[sflag:s24] =	ssyncadd.s32 $0xFFFFC000  }
0x58: {  	[tilespmem:s3], [sflag:$0x1] =	stream.strided.gather [hbm4b:s0+s16], $0x4000, s17, s16, $0x38;
	[tilespmem:$0xC100] =	vst v63  }
0x59: {  	s0 =	sadd.s32 $0x40, s29  }
0x5a: {  	[tilespmem:s18], [sflag:$0x3] =	stream.linear.gather [hbm4b:s0+s3], $0x80, $0x38;
	[tilespmem:$0xC100] =	vst v63  }
0x5b: {  	_ =	swait.ge [sflag:s25], $0x4000  }
0x5c: {  	[sflag:s25] =	ssyncset.done $0x0  }
0x5d: {  	[sflag:s25] =	ssyncadd.s32 $0xFFFFC000  }
0x5e: {  	_ =	swait.ge [sflag:s26], $0x80  }
.Ltmp1:
0x5f: {  	[sflag:s26] =	ssyncset.done $0x0;
	(pc) =	sbr.rel @p0 .LBB2_4-.Ltmp1, $4  }
0x60: {  	[sflag:s26] =	ssyncadd.s32 $0xFFFFFF80  }
0x61: {  	[spmem:s4] =	stream.indirect.scatter.add.f32 [tilespmem:s19], [sflag:$0x5], $0x80, s20, s23, $0xb8;
	[tilespmem:$0xC100] =	vst v63  }
0x62: {  	s30 =	sadd.s32 $0x40000, s30;
	_ =	swait.ge [sflag:s24], $0x4000  }
0x63: {  	s29 =	sadd.s32 $0x80, s29;
	s0 =	smov.u32 s5;
	[sflag:s24] =	ssyncset.done $0x0  }
0x64: {  	s0 =	sadd.s32 s31, s11;
	[sflag:s24] =	ssyncadd.s32 $0xFFFFC000  }
0x65: {  	[tilespmem:s19], [sflag:$0x2] =	stream.strided.gather [hbm4b:s0+s16], $0x4000, s17, s16, $0x38;
	[tilespmem:$0xC100] =	vst v63  }
0x66: {  	_ = 	snop  }
0x67: {  	[tilespmem:s20], [sflag:$0x4] =	stream.linear.gather [hbm4b:s29+s3], $0x80, $0x38;
	[tilespmem:$0xC100] =	vst v63  }
0x68: {  	_ =	swait.ge [sflag:s21], $0x4000  }
0x69: {  	[sflag:s21] =	ssyncset.done $0x0  }
0x6a: {  	[sflag:s21] =	ssyncadd.s32 $0xFFFFC000  }
0x6b: {  	_ =	swait.ge [sflag:s22], $0x80  }
0x6c: {  	[sflag:s22] =	ssyncset.done $0x0  }
0x6d: {  	[sflag:s22] =	ssyncadd.s32 $0xFFFFFF80  }
0x6e: {  	[spmem:s4] =	stream.indirect.scatter.add.f32 [tilespmem:s3], [sflag:$0x5], $0x80, s18, s23, $0xb8;
	[tilespmem:$0xC100] =	vst v63  }
0x6f: {  	_ =	swait.ge [sflag:s24], $0x4000  }
0x70: {  	s5 =	sshrl.u32 s30, $0x3;
	[sflag:s24] =	ssyncset.done $0x0  }
0x71: {  	s0 =	sadd.s32 s1, s5;
	[sflag:s24] =	ssyncadd.s32 $0xFFFFC000  }
0x72: {  	[tilespmem:s3], [sflag:$0x1] =	stream.strided.gather [hbm4b:s0+s16], $0x4000, s17, s16, $0x38;
	[tilespmem:$0xC100] =	vst v63  }
0x73: {  	s30 =	sadd.s32 $0x40, s29  }
0x74: {  	[tilespmem:s18], [sflag:$0x3] =	stream.linear.gather [hbm4b:s30+s3], $0x80, $0x38;
	[tilespmem:$0xC100] =	vst v63  }
0x75: {  	_ =	swait.ge [sflag:s25], $0x4000  }
0x76: {  	[sflag:s25] =	ssyncset.done $0x0  }
0x77: {  	[sflag:s25] =	ssyncadd.s32 $0xFFFFC000  }
0x78: {  	_ =	swait.ge [sflag:s26], $0x80  }
0x79: {  	[sflag:s26] =	ssyncset.done $0x0  }
0x7a: {  	[sflag:s26] =	ssyncadd.s32 $0xFFFFFF80  }
0x7b: {  	[spmem:s4] =	stream.indirect.scatter.add.f32 [tilespmem:s19], [sflag:$0x5], $0x80, s20, s23, $0xb8;
	[tilespmem:$0xC100] =	vst v63  }
0x7c: {  	_ =	swait.ge [sflag:s24], $0x4000  }
0x7d: {  	[sflag:s24] =	ssyncset.done $0x0  }
0x7e: {  	[sflag:s24] =	ssyncadd.s32 $0xFFFFC000  }
0x7f: {  	[tilespmem:s19], [sflag:$0x2] =	stream.strided.gather [hbm4b:s9+s16], $0x4000, s17, s16, $0x38;
	[tilespmem:$0xC100] =	vst v63  }
0x80: {  	_ = 	snop  }
0x81: {  	[tilespmem:s20], [sflag:$0x4] =	stream.linear.gather [hbm4b:s10+s3], $0x80, $0x38;
	[tilespmem:$0xC100] =	vst v63  }
0x82: {  	_ =	swait.ge [sflag:s21], $0x4000  }
0x83: {  	[sflag:s21] =	ssyncset.done $0x0  }
0x84: {  	[sflag:s21] =	ssyncadd.s32 $0xFFFFC000  }
0x85: {  	_ =	swait.ge [sflag:s22], $0x80  }
0x86: {  	[sflag:s22] =	ssyncset.done $0x0  }
0x87: {  	[sflag:s22] =	ssyncadd.s32 $0xFFFFFF80  }
0x88: {  	[spmem:s4] =	stream.indirect.scatter.add.f32 [tilespmem:s3], [sflag:$0x5], $0x80, s18, s23, $0xb8;
	[tilespmem:$0xC100] =	vst v63  }
0x89: {  	_ =	swait.ge [sflag:s24], $0x4000  }
0x8a: {  	[sflag:s24] =	ssyncset.done $0x0  }
0x8b: {  	[sflag:s24] =	ssyncadd.s32 $0xFFFFC000  }
0x8c: {  	_ =	swait.ge [sflag:s25], $0x4000  }
0x8d: {  	[sflag:s25] =	ssyncset.done $0x0  }
0x8e: {  	[sflag:s25] =	ssyncadd.s32 $0xFFFFC000  }
0x8f: {  	_ =	swait.ge [sflag:s26], $0x80  }
0x90: {  	[sflag:s26] =	ssyncset.done $0x0  }
0x91: {  	[sflag:s26] =	ssyncadd.s32 $0xFFFFFF80  }
0x92: {  	[spmem:s4] =	stream.indirect.scatter.add.f32 [tilespmem:s19], [sflag:$0x5], $0x80, s20, s23, $0xb8;
	[tilespmem:$0xC100] =	vst v63  }
0x93: {  	_ =	swait.ge [sflag:s24], $0x4000  }
0x94: {  	[sflag:s24] =	ssyncset.done $0x0  }
0x95: {  	[sflag:s24] =	ssyncadd.s32 $0xFFFFC000  }
0x96: {  	[tilespmem:s14], [sflag:$0x6] =	stream.linear.gather [spmem:s4], $0x2000, $0x38;
	[tilespmem:$0xC100] =	vst v63  }
0x97: {  	s28 =	sadd.s32 $0x1, s28;
	_ =	swait.ge [sflag:s15], $0x2000  }
0x98: {  	p0 =	sne.s32 s28, s8;
	[sflag:s15] =	ssyncset.done $0x0  }
.Ltmp2:
0x99: {  	s31 =	rddreg [dreg:$0x5];
	[sflag:s15] =	ssyncadd.s32 $0xFFFFE000;
	(pc) =	sbr.rel @p0 .LBB2_1-.Ltmp2, $4  }
0x9a: {  	[hbm4b:s31+s16] =	stream.strided.scatter [tilespmem:s14], [sflag:$0x6], $0x2000, s17, s16, $0x38;
	[tilespmem:$0xC100] =	vst v63  }
0x9b: {  	_ =	swait.ge [sflag:s15], $0x2000  }
0x9c: {  	[sflag:s15] =	ssyncset.done $0x0  }
0x9d: {  	[sflag:s15] =	ssyncadd.s32 $0xFFFFE000  }
0x9e: {  	_ =	sfence.sel $0x180000  }
0x9f: {  	[bflag:$0x0] =	sbarrier.arrive $0xFFFF  }
0xa0: {  	_ =	strace $0x90000047  }
0xa1: {  	s0 =	stileid.u32;
	[bflag:$0x2] =	sbarrier.arrive $0xFFFF  }
0xa2: {  	p0 =	sne.s32 s0, $0x0;
	s0 =	rddreg [dreg:$0x4]  }
0xa3: {  	s0 =	sadd.s32 @!p0 $0x100000, s0  }
0xa4: {  	[sflag:s0] =	ssyncadd.tile.s32 @!p0 $0x1;
	_ =	shalt  }
.Lfunc_end2:
_tile_overlayer_lowered:
.L_overlay_start_2:
0xa5: {  	(tag) =	ssettag $0x2  }
0xa6: {  	s0 =	rddreg [dreg:$0x0];
	s2 =	stileid.u32  }
0xa7: {  	s1 =	rddreg [dreg:$0x1];
	p0 =	sne.s32 s2, $0x0  }
0xa8: {  	s3 =	rddreg [dreg:$0x2];
	[bflag:$0x3] =	sbarrier.arrive $0xFFFF;
	s2 =	simm.s32 @!p0 $0x1C06  }
0xa9: {  	[timem:s3], [sflag:s2] =	dma.local @!p0 [hbm:s0], s1  }
0xaa: {  	s0 =	simm.s32 @!p0 $0x6  }
0xab: {  	_ =	swait.ge @!p0 [sflag:s0], s1  }
0xac: {  	s1 =	ssub.s32 @!p0 $0x0, s1;
	[sflag:s0] =	ssyncset.done @!p0 $0x0  }
0xad: {  	[sflag:s0] =	ssyncadd.s32 @!p0 s1  }
0xae: {  	[bflag:$0x3] =	sbarrier.arrive $0xFFFF  }
0xaf: {  	_ =	shalt  }

</sc_bundles>
